<compile_context>
chip_gen: v7x
topology: tpu7x:2x2x1
jax: 0.10.2.dev20260603
libtpu: 0.0.44.dev20260713+nightly
codegen_flags: <defaults>
</compile_context>

<pallas_src>
import functools

import jax
import jax.numpy as jnp
from jax import lax
from jax.experimental import pallas as pl
from jax.experimental.pallas import tpu as pltpu
from jax.experimental.pallas import tpu_sc as plsc

N = 10000
E = 320000
F_IN = 128
H = 256
HH = H // 2

NC = 2
NS = 16
NW = NC * NS

CH = 80
RPT = N // NS

_sc_mesh = plsc.VectorSubcoreMesh(core_axis_name="c", subcore_axis_name="s")


NROW = E // CH
RPW = NROW // NW


@functools.partial(
    pl.kernel,
    mesh=_sc_mesh,
    out_type=[
        jax.ShapeDtypeStruct((NW, N), jnp.float32),
        jax.ShapeDtypeStruct((3, NROW, CH), jnp.int32),
    ],
    scratch_types=[
        pltpu.VMEM((N,), jnp.float32),
        pltpu.VMEM((RPW, CH), jnp.int32),
        pltpu.VMEM((RPW, CH), jnp.int32),
        pltpu.SemaphoreType.DMA,
        pltpu.SemaphoreType.DMA,
    ],
    compiler_params=pltpu.CompilerParams(
        needs_layout_passes=False, use_tc_tiling_on_sc=False
    ),
)
def _deg_kernel(ei_hbm, out_hbm, eidx_hbm, acc, dbuf, sbuf, dsem, ssem):
    c = lax.axis_index("c")
    s = lax.axis_index("s")
    wid = s * NC + c
    rlo = wid * RPW

    din = pltpu.async_copy(ei_hbm.at[1, pl.ds(rlo, RPW)], dbuf, dsem)
    sin = pltpu.async_copy(ei_hbm.at[0, pl.ds(rlo, RPW)], sbuf, ssem)

    z16 = jnp.zeros((16,), jnp.float32)

    def zinit(i, _):
        acc[pl.ds(i * 16, 16)] = z16
        return 0

    lax.fori_loop(0, N // 16, zinit, 0)
    din.wait()
    dout = pltpu.async_copy(dbuf, eidx_hbm.at[2, pl.ds(rlo, RPW)], dsem)
    sin.wait()
    sout = pltpu.async_copy(sbuf, eidx_hbm.at[0, pl.ds(rlo, RPW)], ssem)

    ones = jnp.full((16,), 1.0, jnp.float32)

    def body(i, _):
        for j in range(CH // 16):
            idx = dbuf[i, pl.ds(j * 16, 16)]
            plsc.addupdate_scatter(acc, [idx], ones)
        return 0

    lax.fori_loop(0, RPW, body, 0)
    pltpu.sync_copy(acc, out_hbm.at[wid])

    sout.wait()

    def addn(i, _):
        for j in range(CH // 16):
            sbuf[i, pl.ds(j * 16, 16)] = sbuf[i, pl.ds(j * 16, 16)] + N
        return 0

    lax.fori_loop(0, RPW, addn, 0)
    pltpu.sync_copy(sbuf, eidx_hbm.at[1, pl.ds(rlo, RPW)])
    dout.wait()


NCHUNK = E // NS // CH
NPH = 2
PCH = NCHUNK // NPH
NBUF = 3


@functools.partial(
    pl.kernel,
    mesh=_sc_mesh,
    out_type=jax.ShapeDtypeStruct((2 * N, HH), jnp.float32),
    scratch_types=[
        pltpu.VMEM((PCH, CH), jnp.int32),
        pltpu.VMEM((PCH, CH), jnp.int32),
        [pltpu.VMEM((CH, HH), jnp.float32)] * NBUF,
        [pltpu.SemaphoreType.DMA] * NBUF,
        [pltpu.SemaphoreType.DMA] * NBUF,
        pltpu.VMEM_SHARED((N, HH), jnp.float32),
        pltpu.SemaphoreType.DMA,
    ],
    compiler_params=pltpu.CompilerParams(use_tc_tiling_on_sc=False),
)
def _prop_kernel(y_hbm, eidx_hbm, z_hbm, sidx, didx, bufs, gsems,
                 ssems, zacc, isem):
    c = lax.axis_index("c")
    s = lax.axis_index("s")
    rbase = s * RPT

    pltpu.sync_copy(
        y_hbm.at[pl.ds(c * N + rbase, RPT)], zacc.at[pl.ds(rbase, RPT)]
    )
    plsc.subcore_barrier()

    def g_start(i, b):
        pltpu.async_copy(y_hbm.at[sidx.at[i]], bufs[b], gsems[b])

    def g_wait(b):
        pltpu.make_async_copy(y_hbm.at[sidx.at[0]], bufs[b], gsems[b]).wait()

    def s_start(i, b):
        pltpu.async_copy(bufs[b], zacc.at[didx.at[i]], ssems[b], add=True)

    def s_wait(b):
        pltpu.make_async_copy(bufs[b], zacc.at[didx.at[0]], ssems[b]).wait()

    def phase(p, _):
        roff = s * (NPH * PCH) + p * PCH
        iin = pltpu.async_copy(eidx_hbm.at[c, pl.ds(roff, PCH)], sidx, isem)
        pltpu.sync_copy(eidx_hbm.at[2, pl.ds(roff, PCH)], didx)
        iin.wait()
        for j in range(NBUF - 1):
            g_start(j, j)

        def step(i, _):
            for b in range(NBUF):
                @pl.when(lax.rem(i, NBUF) == b)
                def _(b=b):
                    nb = (b + NBUF - 1) % NBUF
                    g_wait(b)
                    s_start(i, b)

                    @pl.when(i >= 1)
                    def _():
                        s_wait(nb)

                    @pl.when(i + NBUF - 1 < PCH)
                    def _():
                        g_start(i + NBUF - 1, nb)

            return 0

        lax.fori_loop(0, PCH, step, 0)
        s_wait((PCH - 1) % NBUF)
        return 0

    lax.fori_loop(0, NPH, phase, 0)
    plsc.subcore_barrier()

    pltpu.sync_copy(
        zacc.at[pl.ds(rbase, RPT)], z_hbm.at[pl.ds(c * N + rbase, RPT)]
    )


def _mm1_body(x_ref, w_ref, degt_ref, y_ref):
    deg = jnp.sum(degt_ref[...], axis=1, keepdims=True) + 1.0
    dinv = lax.rsqrt(deg)
    xw = jnp.dot(x_ref[...], w_ref[...], preferred_element_type=jnp.float32)
    y_ref[...] = xw * dinv


_BLK = 10000
_NB = N // _BLK


def _mm1(x, w1, degt):
    return pl.pallas_call(
        _mm1_body,
        grid=(_NB, 2),
        in_specs=[
            pl.BlockSpec((_BLK, F_IN), lambda i, j: (i, 0)),
            pl.BlockSpec((F_IN, HH), lambda i, j: (0, j)),
            pl.BlockSpec((_BLK, NW), lambda i, j: (i, 0)),
        ],
        out_specs=pl.BlockSpec((_BLK, HH), lambda i, j: (j * _NB + i, 0)),
        out_shape=jax.ShapeDtypeStruct((2 * N, HH), jnp.float32),
    )(x, w1, degt)


def _mm2_body(za_ref, zb_ref, wa_ref, wb_ref, ba_ref, bb_ref, degt_ref, y_ref):
    deg = jnp.sum(degt_ref[...], axis=1, keepdims=True) + 1.0
    dinv = lax.rsqrt(deg)
    ha = jnp.maximum(za_ref[...] * dinv + ba_ref[0], 0.0)
    hb = jnp.maximum(zb_ref[...] * dinv + bb_ref[0], 0.0)
    acc = jnp.dot(ha, wa_ref[...], preferred_element_type=jnp.float32)
    acc = acc + jnp.dot(hb, wb_ref[...], preferred_element_type=jnp.float32)
    y_ref[...] = acc * dinv


def _mm2(z1, w2, b1r, degt):
    return pl.pallas_call(
        _mm2_body,
        grid=(_NB, 2),
        in_specs=[
            pl.BlockSpec((_BLK, HH), lambda i, j: (i, 0)),
            pl.BlockSpec((_BLK, HH), lambda i, j: (_NB + i, 0)),
            pl.BlockSpec((HH, HH), lambda i, j: (0, j)),
            pl.BlockSpec((HH, HH), lambda i, j: (1, j)),
            pl.BlockSpec((1, 1, HH), lambda i, j: (0, 0, 0)),
            pl.BlockSpec((1, 1, HH), lambda i, j: (1, 0, 0)),
            pl.BlockSpec((_BLK, NW), lambda i, j: (i, 0)),
        ],
        out_specs=pl.BlockSpec((_BLK, HH), lambda i, j: (j * _NB + i, 0)),
        out_shape=jax.ShapeDtypeStruct((2 * N, HH), jnp.float32),
    )(z1, z1, w2, w2, b1r, b1r, degt)


def _mm3_body(za_ref, zb_ref, wa_ref, wb_ref, ba_ref, bb_ref, bl_ref, degt_ref,
              o_ref):
    deg = jnp.sum(degt_ref[...], axis=1, keepdims=True) + 1.0
    dinv = lax.rsqrt(deg)
    ha = jnp.maximum(za_ref[...] * dinv + ba_ref[0], 0.0)
    hb = jnp.maximum(zb_ref[...] * dinv + bb_ref[0], 0.0)
    acc = jnp.dot(ha, wa_ref[...], preferred_element_type=jnp.float32)
    acc = acc + jnp.dot(hb, wb_ref[...], preferred_element_type=jnp.float32)
    o_ref[...] = acc + bl_ref[...]


def _mm3(z2, wl, b2r, bl, degt):
    return pl.pallas_call(
        _mm3_body,
        grid=(_NB,),
        in_specs=[
            pl.BlockSpec((_BLK, HH), lambda i: (i, 0)),
            pl.BlockSpec((_BLK, HH), lambda i: (_NB + i, 0)),
            pl.BlockSpec((HH, 1), lambda i: (0, 0)),
            pl.BlockSpec((HH, 1), lambda i: (1, 0)),
            pl.BlockSpec((1, 1, HH), lambda i: (0, 0, 0)),
            pl.BlockSpec((1, 1, HH), lambda i: (1, 0, 0)),
            pl.BlockSpec((1, 1), lambda i: (0, 0)),
            pl.BlockSpec((_BLK, NW), lambda i: (i, 0)),
        ],
        out_specs=pl.BlockSpec((_BLK, 1), lambda i: (i, 0)),
        out_shape=jax.ShapeDtypeStruct((N, 1), jnp.float32),
    )(z2, z2, wl, wl, b2r, b2r, bl.reshape(1, 1), degt)


@jax.jit
def kernel(x, edge_index, batch, W1, b1, W2, b2, Wl, bl):

    ei3 = edge_index.reshape(2, NROW, CH)

    degp, eidx = _deg_kernel(ei3)
    degt = degp.T

    y1 = _mm1(x, W1, degt)
    z1 = _prop_kernel(y1, eidx)
    y2 = _mm2(z1, W2, b1.reshape(2, 1, HH), degt)
    z2 = _prop_kernel(y2, eidx)
    out = _mm3(z2, Wl, b2.reshape(2, 1, HH), bl, degt)
    return out

# --- scband reference (transcript-rebuilt; emitter-appended) ---
"""Pipeline reference for scband-gcn-86182813762336 (READ-ONLY COPY).

The authoritative reference and input builder live on the scoring server;
editing this copy changes nothing except your own understanding.
"""

import jax, jax.numpy as jnp
import numpy as np

N = 10000
E = 320000
F_IN = 128
H = 256
OUT = 1  # num_classes=2 -> final_dim=1


def gcn_conv(x, edge_index, W, b, num_nodes):
    # PyG GCNConv: x' = D^{-1/2} (A + I) D^{-1/2} X W + b
    x = x @ W
    src = edge_index[0]
    dst = edge_index[1]
    loop = jnp.arange(num_nodes, dtype=src.dtype)
    src = jnp.concatenate([src, loop])
    dst = jnp.concatenate([dst, loop])
    deg = jnp.zeros((num_nodes,), dtype=x.dtype).at[dst].add(1.0)
    deg_inv_sqrt = jnp.where(deg > 0, deg ** -0.5, 0.0)
    norm = deg_inv_sqrt[src] * deg_inv_sqrt[dst]
    msgs = x[src] * norm[:, None]
    out = jnp.zeros_like(x).at[dst].add(msgs)
    return out + b


def setup_inputs(seed: int = 0) -> dict:
    key = jax.random.key(seed)
    ks = jax.random.split(key, 8)
    x = jax.random.normal(ks[0], (N, F_IN), dtype=jnp.float32)
    edge_index = jax.random.randint(ks[1], (2, E), 0, N, dtype=jnp.int32)
    batch = jnp.zeros((N,), dtype=jnp.int32)
    W1 = jax.random.normal(ks[2], (F_IN, H), dtype=jnp.float32) / np.sqrt(F_IN)
    b1 = jnp.zeros((H,), dtype=jnp.float32)
    W2 = jax.random.normal(ks[3], (H, H), dtype=jnp.float32) / np.sqrt(H)
    b2 = jnp.zeros((H,), dtype=jnp.float32)
    Wl = jax.random.normal(ks[4], (H, OUT), dtype=jnp.float32) / np.sqrt(H)
    bl = jnp.zeros((OUT,), dtype=jnp.float32)
    return {"x": x, "edge_index": edge_index, "batch": batch,
            "W1": W1, "b1": b1, "W2": W2, "b2": b2, "Wl": Wl, "bl": bl}


def reference(x, edge_index, batch, W1, b1, W2, b2, Wl, bl):
    h = gcn_conv(x, edge_index, W1, b1, N)
    h = jax.nn.relu(h)
    h = gcn_conv(h, edge_index, W2, b2, N)
    h = jax.nn.relu(h)
    # pooling=False -> no global_add_pool; dropout is identity in eval mode
    out = h @ Wl + bl
    return out

if __name__ == "__main__":
    import jax
    _d = setup_inputs()
    print(jax.jit(kernel)(*tuple(_d.values())))

</pallas_src>

<mosaic_0001>
#map = affine_map<(d0, d1) -> (0, 0, 0)>
#map1 = affine_map<(d0, d1) -> (0, 0)>
module attributes {stable_mosaic.version = 14 : i64} {
  func.func @_deg_kernel(%arg0: i32, %arg1: i32, %arg2: memref<2x4000x80xi32, #tpu.memory_space<hbm>>, %arg3: memref<32x10000xf32, #tpu.memory_space<hbm>>, %arg4: memref<3x4000x80xi32, #tpu.memory_space<hbm>>, %arg5: memref<10000xf32, #tpu.memory_space<vmem>>, %arg6: memref<125x80xi32, #tpu.memory_space<vmem>>, %arg7: memref<125x80xi32, #tpu.memory_space<vmem>>, %arg8: memref<!tpu.dma_semaphore, #tpu.memory_space<semaphore_mem>>, %arg9: memref<!tpu.dma_semaphore, #tpu.memory_space<semaphore_mem>>) attributes {dimension_semantics = [#tpu.dimension_semantics<core_parallel>, #tpu.dimension_semantics<subcore_parallel>], iteration_bounds = array<i64: 2, 16>, scalar_prefetch = 0 : i64, scratch_operands = 5 : i64, tpu.core_type = #tpu.core_type<sc_vector_subcore>, window_params = [{transform_indices = #map}, {transform_indices = #map1}, {transform_indices = #map}]} {
    %mul3A = arith.constant 2 : i32
    %mul3A_0 = arith.muli %arg1, %mul3A : i32
    %add3A = arith.addi %mul3A_0, %arg0 : i32
    %mul3A_1 = arith.constant 125 : i32
    %mul3A_2 = arith.muli %add3A, %mul3A_1 : i32
    %dma_start3A = arith.constant 1 : i32
    %dma_start3A_3 = arith.constant 0 : i32
    %dma_start3A_4 = tpu.memref_slice %arg2[%dma_start3A, %mul3A_2, %dma_start3A_3] : memref<2x4000x80xi32, #tpu.memory_space<hbm>> -> memref<1x125x80xi32, #tpu.memory_space<hbm>>
    %dma_start3A_5 = tpu.memref_squeeze %dma_start3A_4 : memref<1x125x80xi32, #tpu.memory_space<hbm>> -> memref<125x80xi32, #tpu.memory_space<hbm>>
    %dma_start3A_6 = arith.constant 0 : i32
    %dma_start3A_7 = tpu.memref_slice %arg2[%dma_start3A, %mul3A_2, %dma_start3A_6] : memref<2x4000x80xi32, #tpu.memory_space<hbm>> -> memref<1x125x80xi32, #tpu.memory_space<hbm>>
    %dma_start3A_8 = tpu.memref_squeeze %dma_start3A_7 : memref<1x125x80xi32, #tpu.memory_space<hbm>> -> memref<125x80xi32, #tpu.memory_space<hbm>>
    tpu.enqueue_dma source(%dma_start3A_8 : memref<125x80xi32, #tpu.memory_space<hbm>>) target(%arg6 : memref<125x80xi32, #tpu.memory_space<vmem>>) target_semaphore(%arg8 : memref<!tpu.dma_semaphore, #tpu.memory_space<semaphore_mem>>)
    %dma_start3A_9 = arith.constant 0 : i32
    %dma_start3A_10 = arith.constant 0 : i32
    %dma_start3A_11 = tpu.memref_slice %arg2[%dma_start3A_9, %mul3A_2, %dma_start3A_10] : memref<2x4000x80xi32, #tpu.memory_space<hbm>> -> memref<1x125x80xi32, #tpu.memory_space<hbm>>
    %dma_start3A_12 = tpu.memref_squeeze %dma_start3A_11 : memref<1x125x80xi32, #tpu.memory_space<hbm>> -> memref<125x80xi32, #tpu.memory_space<hbm>>
    %dma_start3A_13 = arith.constant 0 : i32
    %dma_start3A_14 = tpu.memref_slice %arg2[%dma_start3A_9, %mul3A_2, %dma_start3A_13] : memref<2x4000x80xi32, #tpu.memory_space<hbm>> -> memref<1x125x80xi32, #tpu.memory_space<hbm>>
    %dma_start3A_15 = tpu.memref_squeeze %dma_start3A_14 : memref<1x125x80xi32, #tpu.memory_space<hbm>> -> memref<125x80xi32, #tpu.memory_space<hbm>>
    tpu.enqueue_dma source(%dma_start3A_15 : memref<125x80xi32, #tpu.memory_space<hbm>>) target(%arg7 : memref<125x80xi32, #tpu.memory_space<vmem>>) target_semaphore(%arg9 : memref<!tpu.dma_semaphore, #tpu.memory_space<semaphore_mem>>)
    %broadcast_in_dim3A = arith.constant 0.000000e+00 : f32
    %broadcast_in_dim3A_16 = vector.broadcast %broadcast_in_dim3A : f32 to vector<16xf32>
    %scan3A = arith.constant 0 : i32
    %scan3A_17 = arith.constant 0 : i32
    %scan3A_18 = arith.constant 625 : i32
    %scan3A_19 = arith.addi %scan3A_17, %scan3A_18 : i32
    %scan3A_20 = arith.constant 1 : i32
    %scan3A_21 = scf.for %scan3A_80 = %scan3A_17 to %scan3A_19 step %scan3A_20 iter_args(%scan3A_81 = %scan3A) -> (i32)  : i32 {
      %mul3A_82 = arith.constant 16 : i32
      %mul3A_83 = arith.muli %scan3A_80, %mul3A_82 : i32
      %swap3A = arith.index_cast %mul3A_83 : i32 to index
      %swap3A_84 = tpu.vector_load %arg5[%swap3A] {strides = array<i32>} : memref<10000xf32, #tpu.memory_space<vmem>>, vector<16xf32>,
      tpu.vector_store %arg5[%swap3A], %broadcast_in_dim3A_16 {strides = array<i32>} : memref<10000xf32, #tpu.memory_space<vmem>>, vector<16xf32>,
      %scan3A_85 = arith.constant 0 : i32
      scf.yield %scan3A_85 : i32
    }
    %scan3A_22 = arith.constant 625 : i32
    %dma_wait3A = arith.constant 1 : i32
    %dma_wait3A_23 = arith.constant 0 : i32
    %dma_wait3A_24 = tpu.memref_slice %arg2[%dma_wait3A, %mul3A_2, %dma_wait3A_23] : memref<2x4000x80xi32, #tpu.memory_space<hbm>> -> memref<1x125x80xi32, #tpu.memory_space<hbm>>
    %dma_wait3A_25 = tpu.memref_squeeze %dma_wait3A_24 : memref<1x125x80xi32, #tpu.memory_space<hbm>> -> memref<125x80xi32, #tpu.memory_space<hbm>>
    %dma_wait3A_26 = arith.constant 0 : i32
    %dma_wait3A_27 = tpu.memref_slice %arg2[%dma_wait3A, %mul3A_2, %dma_wait3A_26] : memref<2x4000x80xi32, #tpu.memory_space<hbm>> -> memref<1x125x80xi32, #tpu.memory_space<hbm>>
    %dma_wait3A_28 = tpu.memref_squeeze %dma_wait3A_27 : memref<1x125x80xi32, #tpu.memory_space<hbm>> -> memref<125x80xi32, #tpu.memory_space<hbm>>
    tpu.wait_dma2 semaphore(%arg8 : memref<!tpu.dma_semaphore, #tpu.memory_space<semaphore_mem>>) src(%dma_wait3A_28 : memref<125x80xi32, #tpu.memory_space<hbm>>) dst(%arg6 : memref<125x80xi32, #tpu.memory_space<vmem>>)
    %dma_start3A_29 = arith.constant 2 : i32
    %dma_start3A_30 = arith.constant 0 : i32
    %dma_start3A_31 = tpu.memref_slice %arg4[%dma_start3A_29, %mul3A_2, %dma_start3A_30] : memref<3x4000x80xi32, #tpu.memory_space<hbm>> -> memref<1x125x80xi32, #tpu.memory_space<hbm>>
    %dma_start3A_32 = tpu.memref_squeeze %dma_start3A_31 : memref<1x125x80xi32, #tpu.memory_space<hbm>> -> memref<125x80xi32, #tpu.memory_space<hbm>>
    %dma_start3A_33 = arith.constant 0 : i32
    %dma_start3A_34 = tpu.memref_slice %arg4[%dma_start3A_29, %mul3A_2, %dma_start3A_33] : memref<3x4000x80xi32, #tpu.memory_space<hbm>> -> memref<1x125x80xi32, #tpu.memory_space<hbm>>
    %dma_start3A_35 = tpu.memref_squeeze %dma_start3A_34 : memref<1x125x80xi32, #tpu.memory_space<hbm>> -> memref<125x80xi32, #tpu.memory_space<hbm>>
    tpu.enqueue_dma source(%arg6 : memref<125x80xi32, #tpu.memory_space<vmem>>) target(%dma_start3A_35 : memref<125x80xi32, #tpu.memory_space<hbm>>) target_semaphore(%arg8 : memref<!tpu.dma_semaphore, #tpu.memory_space<semaphore_mem>>)
    %dma_wait3A_36 = arith.constant 0 : i32
    %dma_wait3A_37 = arith.constant 0 : i32
    %dma_wait3A_38 = tpu.memref_slice %arg2[%dma_wait3A_36, %mul3A_2, %dma_wait3A_37] : memref<2x4000x80xi32, #tpu.memory_space<hbm>> -> memref<1x125x80xi32, #tpu.memory_space<hbm>>
    %dma_wait3A_39 = tpu.memref_squeeze %dma_wait3A_38 : memref<1x125x80xi32, #tpu.memory_space<hbm>> -> memref<125x80xi32, #tpu.memory_space<hbm>>
    %dma_wait3A_40 = arith.constant 0 : i32
    %dma_wait3A_41 = tpu.memref_slice %arg2[%dma_wait3A_36, %mul3A_2, %dma_wait3A_40] : memref<2x4000x80xi32, #tpu.memory_space<hbm>> -> memref<1x125x80xi32, #tpu.memory_space<hbm>>
    %dma_wait3A_42 = tpu.memref_squeeze %dma_wait3A_41 : memref<1x125x80xi32, #tpu.memory_space<hbm>> -> memref<125x80xi32, #tpu.memory_space<hbm>>
    tpu.wait_dma2 semaphore(%arg9 : memref<!tpu.dma_semaphore, #tpu.memory_space<semaphore_mem>>) src(%dma_wait3A_42 : memref<125x80xi32, #tpu.memory_space<hbm>>) dst(%arg7 : memref<125x80xi32, #tpu.memory_space<vmem>>)
    %dma_start3A_43 = arith.constant 0 : i32
    %dma_start3A_44 = arith.constant 0 : i32
    %dma_start3A_45 = tpu.memref_slice %arg4[%dma_start3A_43, %mul3A_2, %dma_start3A_44] : memref<3x4000x80xi32, #tpu.memory_space<hbm>> -> memref<1x125x80xi32, #tpu.memory_space<hbm>>
    %dma_start3A_46 = tpu.memref_squeeze %dma_start3A_45 : memref<1x125x80xi32, #tpu.memory_space<hbm>> -> memref<125x80xi32, #tpu.memory_space<hbm>>
    %dma_start3A_47 = arith.constant 0 : i32
    %dma_start3A_48 = tpu.memref_slice %arg4[%dma_start3A_43, %mul3A_2, %dma_start3A_47] : memref<3x4000x80xi32, #tpu.memory_space<hbm>> -> memref<1x125x80xi32, #tpu.memory_space<hbm>>
    %dma_start3A_49 = tpu.memref_squeeze %dma_start3A_48 : memref<1x125x80xi32, #tpu.memory_space<hbm>> -> memref<125x80xi32, #tpu.memory_space<hbm>>
    tpu.enqueue_dma source(%arg7 : memref<125x80xi32, #tpu.memory_space<vmem>>) target(%dma_start3A_49 : memref<125x80xi32, #tpu.memory_space<hbm>>) target_semaphore(%arg9 : memref<!tpu.dma_semaphore, #tpu.memory_space<semaphore_mem>>)
    %broadcast_in_dim3A_50 = arith.constant 1.000000e+00 : f32
    %broadcast_in_dim3A_51 = vector.broadcast %broadcast_in_dim3A_50 : f32 to vector<16xf32>
    %scan3A_52 = arith.constant 0 : i32
    %scan3A_53 = arith.constant 0 : i32
    %scan3A_54 = arith.constant 125 : i32
    %scan3A_55 = arith.addi %scan3A_53, %scan3A_54 : i32
    %scan3A_56 = arith.constant 1 : i32
    %scan3A_57 = scf.for %scan3A_80 = %scan3A_53 to %scan3A_55 step %scan3A_56 iter_args(%scan3A_81 = %scan3A_52) -> (i32)  : i32 {
      %get3A = arith.index_cast %scan3A_80 : i32 to index
      %get3A_82 = arith.constant 0 : index
      %get3A_83 = tpu.vector_load %arg6[%get3A, %get3A_82] {strides = array<i32>} : memref<125x80xi32, #tpu.memory_space<vmem>>, vector<16xi32>,
      tpu.vector_store_idx %arg5[%get3A_83], %broadcast_in_dim3A_51 {add = true} : memref<10000xf32, #tpu.memory_space<vmem>>[vector<16xi32>], vector<16xf32>,
      %get3A_84 = arith.index_cast %scan3A_80 : i32 to index
      %get3A_85 = arith.constant 16 : index
      %get3A_86 = tpu.vector_load %arg6[%get3A_84, %get3A_85] {strides = array<i32>} : memref<125x80xi32, #tpu.memory_space<vmem>>, vector<16xi32>,
      tpu.vector_store_idx %arg5[%get3A_86], %broadcast_in_dim3A_51 {add = true} : memref<10000xf32, #tpu.memory_space<vmem>>[vector<16xi32>], vector<16xf32>,
      %get3A_87 = arith.index_cast %scan3A_80 : i32 to index
      %get3A_88 = arith.constant 32 : index
      %get3A_89 = tpu.vector_load %arg6[%get3A_87, %get3A_88] {strides = array<i32>} : memref<125x80xi32, #tpu.memory_space<vmem>>, vector<16xi32>,
      tpu.vector_store_idx %arg5[%get3A_89], %broadcast_in_dim3A_51 {add = true} : memref<10000xf32, #tpu.memory_space<vmem>>[vector<16xi32>], vector<16xf32>,
      %get3A_90 = arith.index_cast %scan3A_80 : i32 to index
      %get3A_91 = arith.constant 48 : index
      %get3A_92 = tpu.vector_load %arg6[%get3A_90, %get3A_91] {strides = array<i32>} : memref<125x80xi32, #tpu.memory_space<vmem>>, vector<16xi32>,
      tpu.vector_store_idx %arg5[%get3A_92], %broadcast_in_dim3A_51 {add = true} : memref<10000xf32, #tpu.memory_space<vmem>>[vector<16xi32>], vector<16xf32>,
      %get3A_93 = arith.index_cast %scan3A_80 : i32 to index
      %get3A_94 = arith.constant 64 : index
      %get3A_95 = tpu.vector_load %arg6[%get3A_93, %get3A_94] {strides = array<i32>} : memref<125x80xi32, #tpu.memory_space<vmem>>, vector<16xi32>,
      tpu.vector_store_idx %arg5[%get3A_95], %broadcast_in_dim3A_51 {add = true} : memref<10000xf32, #tpu.memory_space<vmem>>[vector<16xi32>], vector<16xf32>,
      %scan3A_96 = arith.constant 0 : i32
      scf.yield %scan3A_96 : i32
    }
    %scan3A_58 = arith.constant 125 : i32
    "tpu.region"() ({
      %run_scoped3A_80 = tpu.sem_alloc : memref<!tpu.dma_semaphore, #tpu.memory_space<semaphore_mem>>
      %dma_start3A_81 = arith.constant 0 : i32
      %dma_start3A_82 = tpu.memref_slice %arg3[%add3A, %dma_start3A_81] : memref<32x10000xf32, #tpu.memory_space<hbm>> -> memref<1x10000xf32, #tpu.memory_space<hbm>>
      %dma_start3A_83 = tpu.memref_squeeze %dma_start3A_82 : memref<1x10000xf32, #tpu.memory_space<hbm>> -> memref<10000xf32, #tpu.memory_space<hbm>>
      %dma_start3A_84 = arith.constant 0 : i32
      %dma_start3A_85 = tpu.memref_slice %arg3[%add3A, %dma_start3A_84] : memref<32x10000xf32, #tpu.memory_space<hbm>> -> memref<1x10000xf32, #tpu.memory_space<hbm>>
      %dma_start3A_86 = tpu.memref_squeeze %dma_start3A_85 : memref<1x10000xf32, #tpu.memory_space<hbm>> -> memref<10000xf32, #tpu.memory_space<hbm>>
      tpu.enqueue_dma source(%arg5 : memref<10000xf32, #tpu.memory_space<vmem>>) target(%dma_start3A_86 : memref<10000xf32, #tpu.memory_space<hbm>>) target_semaphore(%run_scoped3A_80 : memref<!tpu.dma_semaphore, #tpu.memory_space<semaphore_mem>>)
      %dma_wait3A_87 = arith.constant 0 : i32
      %dma_wait3A_88 = tpu.memref_slice %arg3[%add3A, %dma_wait3A_87] : memref<32x10000xf32, #tpu.memory_space<hbm>> -> memref<1x10000xf32, #tpu.memory_space<hbm>>
      %dma_wait3A_89 = tpu.memref_squeeze %dma_wait3A_88 : memref<1x10000xf32, #tpu.memory_space<hbm>> -> memref<10000xf32, #tpu.memory_space<hbm>>
      %dma_wait3A_90 = arith.constant 0 : i32
      %dma_wait3A_91 = tpu.memref_slice %arg3[%add3A, %dma_wait3A_90] : memref<32x10000xf32, #tpu.memory_space<hbm>> -> memref<1x10000xf32, #tpu.memory_space<hbm>>
      %dma_wait3A_92 = tpu.memref_squeeze %dma_wait3A_91 : memref<1x10000xf32, #tpu.memory_space<hbm>> -> memref<10000xf32, #tpu.memory_space<hbm>>
      tpu.wait_dma2 semaphore(%run_scoped3A_80 : memref<!tpu.dma_semaphore, #tpu.memory_space<semaphore_mem>>) src(%arg5 : memref<10000xf32, #tpu.memory_space<vmem>>) dst(%dma_wait3A_92 : memref<10000xf32, #tpu.memory_space<hbm>>)
      tpu.yield
    }) : () -> ()
    %dma_wait3A_59 = arith.constant 0 : i32
    %dma_wait3A_60 = arith.constant 0 : i32
    %dma_wait3A_61 = tpu.memref_slice %arg4[%dma_wait3A_59, %mul3A_2, %dma_wait3A_60] : memref<3x4000x80xi32, #tpu.memory_space<hbm>> -> memref<1x125x80xi32, #tpu.memory_space<hbm>>
    %dma_wait3A_62 = tpu.memref_squeeze %dma_wait3A_61 : memref<1x125x80xi32, #tpu.memory_space<hbm>> -> memref<125x80xi32, #tpu.memory_space<hbm>>
    %dma_wait3A_63 = arith.constant 0 : i32
    %dma_wait3A_64 = tpu.memref_slice %arg4[%dma_wait3A_59, %mul3A_2, %dma_wait3A_63] : memref<3x4000x80xi32, #tpu.memory_space<hbm>> -> memref<1x125x80xi32, #tpu.memory_space<hbm>>
    %dma_wait3A_65 = tpu.memref_squeeze %dma_wait3A_64 : memref<1x125x80xi32, #tpu.memory_space<hbm>> -> memref<125x80xi32, #tpu.memory_space<hbm>>
    tpu.wait_dma2 semaphore(%arg9 : memref<!tpu.dma_semaphore, #tpu.memory_space<semaphore_mem>>) src(%arg7 : memref<125x80xi32, #tpu.memory_space<vmem>>) dst(%dma_wait3A_65 : memref<125x80xi32, #tpu.memory_space<hbm>>)
    %scan3A_66 = arith.constant 0 : i32
    %scan3A_67 = arith.constant 0 : i32
    %scan3A_68 = arith.constant 125 : i32
    %scan3A_69 = arith.addi %scan3A_67, %scan3A_68 : i32
    %scan3A_70 = arith.constant 1 : i32
    %scan3A_71 = scf.for %scan3A_80 = %scan3A_67 to %scan3A_69 step %scan3A_70 iter_args(%scan3A_81 = %scan3A_66) -> (i32)  : i32 {
      %get3A = arith.index_cast %scan3A_80 : i32 to index
      %get3A_82 = arith.constant 0 : index
      %get3A_83 = tpu.vector_load %arg7[%get3A, %get3A_82] {strides = array<i32>} : memref<125x80xi32, #tpu.memory_space<vmem>>, vector<16xi32>,
      %add3A_84 = arith.constant 10000 : i32
      %add3A_85 = vector.broadcast %add3A_84 : i32 to vector<16xi32>
      %add3A_86 = arith.addi %get3A_83, %add3A_85 : vector<16xi32>
      %swap3A = arith.index_cast %scan3A_80 : i32 to index
      %swap3A_87 = arith.constant 0 : index
      %swap3A_88 = tpu.vector_load %arg7[%swap3A, %swap3A_87] {strides = array<i32>} : memref<125x80xi32, #tpu.memory_space<vmem>>, vector<16xi32>,
      tpu.vector_store %arg7[%swap3A, %swap3A_87], %add3A_86 {strides = array<i32>} : memref<125x80xi32, #tpu.memory_space<vmem>>, vector<16xi32>,
      %get3A_89 = arith.index_cast %scan3A_80 : i32 to index
      %get3A_90 = arith.constant 16 : index
      %get3A_91 = tpu.vector_load %arg7[%get3A_89, %get3A_90] {strides = array<i32>} : memref<125x80xi32, #tpu.memory_space<vmem>>, vector<16xi32>,
      %add3A_92 = arith.constant 10000 : i32
      %add3A_93 = vector.broadcast %add3A_92 : i32 to vector<16xi32>
      %add3A_94 = arith.addi %get3A_91, %add3A_93 : vector<16xi32>
      %swap3A_95 = arith.index_cast %scan3A_80 : i32 to index
      %swap3A_96 = arith.constant 16 : index
      %swap3A_97 = tpu.vector_load %arg7[%swap3A_95, %swap3A_96] {strides = array<i32>} : memref<125x80xi32, #tpu.memory_space<vmem>>, vector<16xi32>,
      tpu.vector_store %arg7[%swap3A_95, %swap3A_96], %add3A_94 {strides = array<i32>} : memref<125x80xi32, #tpu.memory_space<vmem>>, vector<16xi32>,
      %get3A_98 = arith.index_cast %scan3A_80 : i32 to index
      %get3A_99 = arith.constant 32 : index
      %get3A_100 = tpu.vector_load %arg7[%get3A_98, %get3A_99] {strides = array<i32>} : memref<125x80xi32, #tpu.memory_space<vmem>>, vector<16xi32>,
      %add3A_101 = arith.constant 10000 : i32
      %add3A_102 = vector.broadcast %add3A_101 : i32 to vector<16xi32>
      %add3A_103 = arith.addi %get3A_100, %add3A_102 : vector<16xi32>
      %swap3A_104 = arith.index_cast %scan3A_80 : i32 to index
      %swap3A_105 = arith.constant 32 : index
      %swap3A_106 = tpu.vector_load %arg7[%swap3A_104, %swap3A_105] {strides = array<i32>} : memref<125x80xi32, #tpu.memory_space<vmem>>, vector<16xi32>,
      tpu.vector_store %arg7[%swap3A_104, %swap3A_105], %add3A_103 {strides = array<i32>} : memref<125x80xi32, #tpu.memory_space<vmem>>, vector<16xi32>,
      %get3A_107 = arith.index_cast %scan3A_80 : i32 to index
      %get3A_108 = arith.constant 48 : index
      %get3A_109 = tpu.vector_load %arg7[%get3A_107, %get3A_108] {strides = array<i32>} : memref<125x80xi32, #tpu.memory_space<vmem>>, vector<16xi32>,
      %add3A_110 = arith.constant 10000 : i32
      %add3A_111 = vector.broadcast %add3A_110 : i32 to vector<16xi32>
      %add3A_112 = arith.addi %get3A_109, %add3A_111 : vector<16xi32>
      %swap3A_113 = arith.index_cast %scan3A_80 : i32 to index
      %swap3A_114 = arith.constant 48 : index
      %swap3A_115 = tpu.vector_load %arg7[%swap3A_113, %swap3A_114] {strides = array<i32>} : memref<125x80xi32, #tpu.memory_space<vmem>>, vector<16xi32>,
      tpu.vector_store %arg7[%swap3A_113, %swap3A_114], %add3A_112 {strides = array<i32>} : memref<125x80xi32, #tpu.memory_space<vmem>>, vector<16xi32>,
      %get3A_116 = arith.index_cast %scan3A_80 : i32 to index
      %get3A_117 = arith.constant 64 : index
      %get3A_118 = tpu.vector_load %arg7[%get3A_116, %get3A_117] {strides = array<i32>} : memref<125x80xi32, #tpu.memory_space<vmem>>, vector<16xi32>,
      %add3A_119 = arith.constant 10000 : i32
      %add3A_120 = vector.broadcast %add3A_119 : i32 to vector<16xi32>
      %add3A_121 = arith.addi %get3A_118, %add3A_120 : vector<16xi32>
      %swap3A_122 = arith.index_cast %scan3A_80 : i32 to index
      %swap3A_123 = arith.constant 64 : index
      %swap3A_124 = tpu.vector_load %arg7[%swap3A_122, %swap3A_123] {strides = array<i32>} : memref<125x80xi32, #tpu.memory_space<vmem>>, vector<16xi32>,
      tpu.vector_store %arg7[%swap3A_122, %swap3A_123], %add3A_121 {strides = array<i32>} : memref<125x80xi32, #tpu.memory_space<vmem>>, vector<16xi32>,
      %scan3A_125 = arith.constant 0 : i32
      scf.yield %scan3A_125 : i32
    }
    %scan3A_72 = arith.constant 125 : i32
    %run_scoped3A = arith.constant 1 : i32
    "tpu.region"() ({
      %run_scoped3A_80 = tpu.sem_alloc : memref<!tpu.dma_semaphore, #tpu.memory_space<semaphore_mem>>
      %dma_start3A_81 = arith.constant 0 : i32
      %dma_start3A_82 = tpu.memref_slice %arg4[%run_scoped3A, %mul3A_2, %dma_start3A_81] : memref<3x4000x80xi32, #tpu.memory_space<hbm>> -> memref<1x125x80xi32, #tpu.memory_space<hbm>>
      %dma_start3A_83 = tpu.memref_squeeze %dma_start3A_82 : memref<1x125x80xi32, #tpu.memory_space<hbm>> -> memref<125x80xi32, #tpu.memory_space<hbm>>
      %dma_start3A_84 = arith.constant 0 : i32
      %dma_start3A_85 = tpu.memref_slice %arg4[%run_scoped3A, %mul3A_2, %dma_start3A_84] : memref<3x4000x80xi32, #tpu.memory_space<hbm>> -> memref<1x125x80xi32, #tpu.memory_space<hbm>>
      %dma_start3A_86 = tpu.memref_squeeze %dma_start3A_85 : memref<1x125x80xi32, #tpu.memory_space<hbm>> -> memref<125x80xi32, #tpu.memory_space<hbm>>
      tpu.enqueue_dma source(%arg7 : memref<125x80xi32, #tpu.memory_space<vmem>>) target(%dma_start3A_86 : memref<125x80xi32, #tpu.memory_space<hbm>>) target_semaphore(%run_scoped3A_80 : memref<!tpu.dma_semaphore, #tpu.memory_space<semaphore_mem>>)
      %dma_wait3A_87 = arith.constant 0 : i32
      %dma_wait3A_88 = tpu.memref_slice %arg4[%run_scoped3A, %mul3A_2, %dma_wait3A_87] : memref<3x4000x80xi32, #tpu.memory_space<hbm>> -> memref<1x125x80xi32, #tpu.memory_space<hbm>>
      %dma_wait3A_89 = tpu.memref_squeeze %dma_wait3A_88 : memref<1x125x80xi32, #tpu.memory_space<hbm>> -> memref<125x80xi32, #tpu.memory_space<hbm>>
      %dma_wait3A_90 = arith.constant 0 : i32
      %dma_wait3A_91 = tpu.memref_slice %arg4[%run_scoped3A, %mul3A_2, %dma_wait3A_90] : memref<3x4000x80xi32, #tpu.memory_space<hbm>> -> memref<1x125x80xi32, #tpu.memory_space<hbm>>
      %dma_wait3A_92 = tpu.memref_squeeze %dma_wait3A_91 : memref<1x125x80xi32, #tpu.memory_space<hbm>> -> memref<125x80xi32, #tpu.memory_space<hbm>>
      tpu.wait_dma2 semaphore(%run_scoped3A_80 : memref<!tpu.dma_semaphore, #tpu.memory_space<semaphore_mem>>) src(%arg7 : memref<125x80xi32, #tpu.memory_space<vmem>>) dst(%dma_wait3A_92 : memref<125x80xi32, #tpu.memory_space<hbm>>)
      tpu.yield
    }) : () -> ()
    %dma_wait3A_73 = arith.constant 2 : i32
    %dma_wait3A_74 = arith.constant 0 : i32
    %dma_wait3A_75 = tpu.memref_slice %arg4[%dma_wait3A_73, %mul3A_2, %dma_wait3A_74] : memref<3x4000x80xi32, #tpu.memory_space<hbm>> -> memref<1x125x80xi32, #tpu.memory_space<hbm>>
    %dma_wait3A_76 = tpu.memref_squeeze %dma_wait3A_75 : memref<1x125x80xi32, #tpu.memory_space<hbm>> -> memref<125x80xi32, #tpu.memory_space<hbm>>
    %dma_wait3A_77 = arith.constant 0 : i32
    %dma_wait3A_78 = tpu.memref_slice %arg4[%dma_wait3A_73, %mul3A_2, %dma_wait3A_77] : memref<3x4000x80xi32, #tpu.memory_space<hbm>> -> memref<1x125x80xi32, #tpu.memory_space<hbm>>
    %dma_wait3A_79 = tpu.memref_squeeze %dma_wait3A_78 : memref<1x125x80xi32, #tpu.memory_space<hbm>> -> memref<125x80xi32, #tpu.memory_space<hbm>>
    tpu.wait_dma2 semaphore(%arg8 : memref<!tpu.dma_semaphore, #tpu.memory_space<semaphore_mem>>) src(%arg6 : memref<125x80xi32, #tpu.memory_space<vmem>>) dst(%dma_wait3A_79 : memref<125x80xi32, #tpu.memory_space<hbm>>)
    return
  }
}

#map = affine_map<(d0, d1) -> (0, 0)>
#map1 = affine_map<(d0, d1) -> (0, 0, 0)>
module attributes {stable_mosaic.version = 14 : i64} {
  func.func @_prop_kernel(%arg0: i32, %arg1: i32, %arg2: memref<20000x128xf32, #tpu.memory_space<hbm>>, %arg3: memref<3x4000x80xi32, #tpu.memory_space<hbm>>, %arg4: memref<20000x128xf32, #tpu.memory_space<hbm>>, %arg5: memref<125x80xi32, #tpu.memory_space<vmem>>, %arg6: memref<125x80xi32, #tpu.memory_space<vmem>>, %arg7: memref<80x128xf32, #tpu.memory_space<vmem>>, %arg8: memref<80x128xf32, #tpu.memory_space<vmem>>, %arg9: memref<80x128xf32, #tpu.memory_space<vmem>>, %arg10: memref<!tpu.dma_semaphore, #tpu.memory_space<semaphore_mem>>, %arg11: memref<!tpu.dma_semaphore, #tpu.memory_space<semaphore_mem>>, %arg12: memref<!tpu.dma_semaphore, #tpu.memory_space<semaphore_mem>>, %arg13: memref<!tpu.dma_semaphore, #tpu.memory_space<semaphore_mem>>, %arg14: memref<!tpu.dma_semaphore, #tpu.memory_space<semaphore_mem>>, %arg15: memref<!tpu.dma_semaphore, #tpu.memory_space<semaphore_mem>>, %arg16: memref<10000x128xf32, #tpu.memory_space<vmem_shared>>, %arg17: memref<!tpu.dma_semaphore, #tpu.memory_space<semaphore_mem>>) attributes {dimension_semantics = [#tpu.dimension_semantics<core_parallel>, #tpu.dimension_semantics<subcore_parallel>], iteration_bounds = array<i64: 2, 16>, scalar_prefetch = 0 : i64, scratch_operands = 13 : i64, tpu.core_type = #tpu.core_type<sc_vector_subcore>, window_params = [{transform_indices = #map}, {transform_indices = #map1}, {transform_indices = #map}]} {
    %mul3A = arith.constant 625 : i32
    %mul3A_0 = arith.muli %arg1, %mul3A : i32
    %mul3A_1 = arith.constant 10000 : i32
    %mul3A_2 = arith.muli %arg0, %mul3A_1 : i32
    %add3A = arith.addi %mul3A_2, %mul3A_0 : i32
    "tpu.region"() ({
      %run_scoped3A = tpu.sem_alloc : memref<!tpu.dma_semaphore, #tpu.memory_space<semaphore_mem>>
      %dma_start3A = arith.constant 0 : i32
      %dma_start3A_13 = tpu.memref_slice %arg16[%mul3A_0, %dma_start3A] : memref<10000x128xf32, #tpu.memory_space<vmem_shared>> -> memref<625x128xf32, #tpu.memory_space<vmem_shared>>
      %dma_start3A_14 = arith.constant 0 : i32
      %dma_start3A_15 = tpu.memref_slice %arg2[%add3A, %dma_start3A_14] : memref<20000x128xf32, #tpu.memory_space<hbm>> -> memref<625x128xf32, #tpu.memory_space<hbm>>
      tpu.enqueue_dma source(%dma_start3A_15 : memref<625x128xf32, #tpu.memory_space<hbm>>) target(%dma_start3A_13 : memref<625x128xf32, #tpu.memory_space<vmem_shared>>) target_semaphore(%run_scoped3A : memref<!tpu.dma_semaphore, #tpu.memory_space<semaphore_mem>>)
      %dma_wait3A = arith.constant 0 : i32
      %dma_wait3A_16 = tpu.memref_slice %arg16[%mul3A_0, %dma_wait3A] : memref<10000x128xf32, #tpu.memory_space<vmem_shared>> -> memref<625x128xf32, #tpu.memory_space<vmem_shared>>
      %dma_wait3A_17 = arith.constant 0 : i32
      %dma_wait3A_18 = tpu.memref_slice %arg2[%add3A, %dma_wait3A_17] : memref<20000x128xf32, #tpu.memory_space<hbm>> -> memref<625x128xf32, #tpu.memory_space<hbm>>
      tpu.wait_dma2 semaphore(%run_scoped3A : memref<!tpu.dma_semaphore, #tpu.memory_space<semaphore_mem>>) src(%dma_wait3A_18 : memref<625x128xf32, #tpu.memory_space<hbm>>) dst(%dma_wait3A_16 : memref<625x128xf32, #tpu.memory_space<vmem_shared>>)
      tpu.yield
    }) : () -> ()
    %barrier3A = arith.constant 0 : index
    tpu.barrier barrier_id(%barrier3A)
    %scan3A = arith.constant 0 : i32
    %scan3A_3 = arith.constant 0 : i32
    %scan3A_4 = arith.constant 2 : i32
    %scan3A_5 = arith.addi %scan3A_3, %scan3A_4 : i32
    %scan3A_6 = arith.constant 1 : i32
    %scan3A_7 = scf.for %scan3A_13 = %scan3A_3 to %scan3A_5 step %scan3A_6 iter_args(%scan3A_14 = %scan3A) -> (i32)  : i32 {
      %mul3A_15 = arith.constant 250 : i32
      %mul3A_16 = arith.muli %arg1, %mul3A_15 : i32
      %mul3A_17 = arith.constant 125 : i32
      %mul3A_18 = arith.muli %scan3A_13, %mul3A_17 : i32
      %add3A_19 = arith.addi %mul3A_16, %mul3A_18 : i32
      %dma_start3A = arith.constant 0 : i32
      %dma_start3A_20 = tpu.memref_slice %arg3[%arg0, %add3A_19, %dma_start3A] : memref<3x4000x80xi32, #tpu.memory_space<hbm>> -> memref<1x125x80xi32, #tpu.memory_space<hbm>>
      %dma_start3A_21 = tpu.memref_squeeze %dma_start3A_20 : memref<1x125x80xi32, #tpu.memory_space<hbm>> -> memref<125x80xi32, #tpu.memory_space<hbm>>
      %dma_start3A_22 = arith.constant 0 : i32
      %dma_start3A_23 = tpu.memref_slice %arg3[%arg0, %add3A_19, %dma_start3A_22] : memref<3x4000x80xi32, #tpu.memory_space<hbm>> -> memref<1x125x80xi32, #tpu.memory_space<hbm>>
      %dma_start3A_24 = tpu.memref_squeeze %dma_start3A_23 : memref<1x125x80xi32, #tpu.memory_space<hbm>> -> memref<125x80xi32, #tpu.memory_space<hbm>>
      tpu.enqueue_dma source(%dma_start3A_24 : memref<125x80xi32, #tpu.memory_space<hbm>>) target(%arg5 : memref<125x80xi32, #tpu.memory_space<vmem>>) target_semaphore(%arg17 : memref<!tpu.dma_semaphore, #tpu.memory_space<semaphore_mem>>)
      %run_scoped3A = arith.constant 2 : i32
      "tpu.region"() ({
        %run_scoped3A_59 = tpu.sem_alloc : memref<!tpu.dma_semaphore, #tpu.memory_space<semaphore_mem>>
        %dma_start3A_60 = arith.constant 0 : i32
        %dma_start3A_61 = tpu.memref_slice %arg3[%run_scoped3A, %add3A_19, %dma_start3A_60] : memref<3x4000x80xi32, #tpu.memory_space<hbm>> -> memref<1x125x80xi32, #tpu.memory_space<hbm>>
        %dma_start3A_62 = tpu.memref_squeeze %dma_start3A_61 : memref<1x125x80xi32, #tpu.memory_space<hbm>> -> memref<125x80xi32, #tpu.memory_space<hbm>>
        %dma_start3A_63 = arith.constant 0 : i32
        %dma_start3A_64 = tpu.memref_slice %arg3[%run_scoped3A, %add3A_19, %dma_start3A_63] : memref<3x4000x80xi32, #tpu.memory_space<hbm>> -> memref<1x125x80xi32, #tpu.memory_space<hbm>>
        %dma_start3A_65 = tpu.memref_squeeze %dma_start3A_64 : memref<1x125x80xi32, #tpu.memory_space<hbm>> -> memref<125x80xi32, #tpu.memory_space<hbm>>
        tpu.enqueue_dma source(%dma_start3A_65 : memref<125x80xi32, #tpu.memory_space<hbm>>) target(%arg6 : memref<125x80xi32, #tpu.memory_space<vmem>>) target_semaphore(%run_scoped3A_59 : memref<!tpu.dma_semaphore, #tpu.memory_space<semaphore_mem>>)
        %dma_wait3A_66 = arith.constant 0 : i32
        %dma_wait3A_67 = tpu.memref_slice %arg3[%run_scoped3A, %add3A_19, %dma_wait3A_66] : memref<3x4000x80xi32, #tpu.memory_space<hbm>> -> memref<1x125x80xi32, #tpu.memory_space<hbm>>
        %dma_wait3A_68 = tpu.memref_squeeze %dma_wait3A_67 : memref<1x125x80xi32, #tpu.memory_space<hbm>> -> memref<125x80xi32, #tpu.memory_space<hbm>>
        %dma_wait3A_69 = arith.constant 0 : i32
        %dma_wait3A_70 = tpu.memref_slice %arg3[%run_scoped3A, %add3A_19, %dma_wait3A_69] : memref<3x4000x80xi32, #tpu.memory_space<hbm>> -> memref<1x125x80xi32, #tpu.memory_space<hbm>>
        %dma_wait3A_71 = tpu.memref_squeeze %dma_wait3A_70 : memref<1x125x80xi32, #tpu.memory_space<hbm>> -> memref<125x80xi32, #tpu.memory_space<hbm>>
        tpu.wait_dma2 semaphore(%run_scoped3A_59 : memref<!tpu.dma_semaphore, #tpu.memory_space<semaphore_mem>>) src(%dma_wait3A_71 : memref<125x80xi32, #tpu.memory_space<hbm>>) dst(%arg6 : memref<125x80xi32, #tpu.memory_space<vmem>>)
        tpu.yield
      }) : () -> ()
      %dma_wait3A = arith.constant 0 : i32
      %dma_wait3A_25 = tpu.memref_slice %arg3[%arg0, %add3A_19, %dma_wait3A] : memref<3x4000x80xi32, #tpu.memory_space<hbm>> -> memref<1x125x80xi32, #tpu.memory_space<hbm>>
      %dma_wait3A_26 = tpu.memref_squeeze %dma_wait3A_25 : memref<1x125x80xi32, #tpu.memory_space<hbm>> -> memref<125x80xi32, #tpu.memory_space<hbm>>
      %dma_wait3A_27 = arith.constant 0 : i32
      %dma_wait3A_28 = tpu.memref_slice %arg3[%arg0, %add3A_19, %dma_wait3A_27] : memref<3x4000x80xi32, #tpu.memory_space<hbm>> -> memref<1x125x80xi32, #tpu.memory_space<hbm>>
      %dma_wait3A_29 = tpu.memref_squeeze %dma_wait3A_28 : memref<1x125x80xi32, #tpu.memory_space<hbm>> -> memref<125x80xi32, #tpu.memory_space<hbm>>
      tpu.wait_dma2 semaphore(%arg17 : memref<!tpu.dma_semaphore, #tpu.memory_space<semaphore_mem>>) src(%dma_wait3A_29 : memref<125x80xi32, #tpu.memory_space<hbm>>) dst(%arg5 : memref<125x80xi32, #tpu.memory_space<vmem>>)
      %dma_start3A_30 = arith.constant 0 : i32
      %dma_start3A_31 = arith.constant 0 : i32
      %dma_start3A_32 = tpu.memref_slice %arg5[%dma_start3A_30, %dma_start3A_31] : memref<125x80xi32, #tpu.memory_space<vmem>> -> memref<1x80xi32, #tpu.memory_space<vmem>>
      %dma_start3A_33 = tpu.memref_squeeze %dma_start3A_32 : memref<1x80xi32, #tpu.memory_space<vmem>> -> memref<80xi32, #tpu.memory_space<vmem>>
      %dma_start3A_34 = arith.constant 0 : i32
      %dma_start3A_35 = arith.constant 0 : i32
      %dma_start3A_36 = tpu.memref_slice %arg2[%dma_start3A_34, %dma_start3A_35] : memref<20000x128xf32, #tpu.memory_space<hbm>> -> memref<20000x128xf32, #tpu.memory_space<hbm>>
      tpu.enqueue_indirect_dma source(%dma_start3A_36 : memref<20000x128xf32, #tpu.memory_space<hbm>>) target(%arg7 : memref<80x128xf32, #tpu.memory_space<vmem>>) offsets(%dma_start3A_33 : memref<80xi32, #tpu.memory_space<vmem>>) semaphore(%arg10 : memref<!tpu.dma_semaphore, #tpu.memory_space<semaphore_mem>>)
      %dma_start3A_37 = arith.constant 1 : i32
      %dma_start3A_38 = arith.constant 0 : i32
      %dma_start3A_39 = tpu.memref_slice %arg5[%dma_start3A_37, %dma_start3A_38] : memref<125x80xi32, #tpu.memory_space<vmem>> -> memref<1x80xi32, #tpu.memory_space<vmem>>
      %dma_start3A_40 = tpu.memref_squeeze %dma_start3A_39 : memref<1x80xi32, #tpu.memory_space<vmem>> -> memref<80xi32, #tpu.memory_space<vmem>>
      %dma_start3A_41 = arith.constant 0 : i32
      %dma_start3A_42 = arith.constant 0 : i32
      %dma_start3A_43 = tpu.memref_slice %arg2[%dma_start3A_41, %dma_start3A_42] : memref<20000x128xf32, #tpu.memory_space<hbm>> -> memref<20000x128xf32, #tpu.memory_space<hbm>>
      tpu.enqueue_indirect_dma source(%dma_start3A_43 : memref<20000x128xf32, #tpu.memory_space<hbm>>) target(%arg8 : memref<80x128xf32, #tpu.memory_space<vmem>>) offsets(%dma_start3A_40 : memref<80xi32, #tpu.memory_space<vmem>>) semaphore(%arg11 : memref<!tpu.dma_semaphore, #tpu.memory_space<semaphore_mem>>)
      %scan3A_44 = arith.constant 0 : i32
      %scan3A_45 = arith.constant 0 : i32
      %scan3A_46 = arith.constant 125 : i32
      %scan3A_47 = arith.addi %scan3A_45, %scan3A_46 : i32
      %scan3A_48 = arith.constant 1 : i32
      %scan3A_49 = scf.for %scan3A_59 = %scan3A_45 to %scan3A_47 step %scan3A_48 iter_args(%scan3A_60 = %scan3A_44) -> (i32)  : i32 {
        %rem3A = arith.constant 3 : i32
        %rem3A_61 = arith.remsi %scan3A_59, %rem3A : i32
        %eq3A = arith.constant 0 : i32
        %eq3A_62 = arith.cmpi eq, %rem3A_61, %eq3A : i32
        %convert_element_type3A = arith.extui %eq3A_62 : i1 to i32
        %cond3A = arith.constant 0 : i32
        %cond3A_63 = arith.cmpi ne, %convert_element_type3A, %cond3A : i32
        scf.if %cond3A_63 {
          %dma_wait3A_79 = arith.constant 0 : i32
          %dma_wait3A_80 = arith.constant 0 : i32
          %dma_wait3A_81 = tpu.memref_slice %arg5[%dma_wait3A_79, %dma_wait3A_80] : memref<125x80xi32, #tpu.memory_space<vmem>> -> memref<1x80xi32, #tpu.memory_space<vmem>>
          %dma_wait3A_82 = tpu.memref_squeeze %dma_wait3A_81 : memref<1x80xi32, #tpu.memory_space<vmem>> -> memref<80xi32, #tpu.memory_space<vmem>>
          %dma_wait3A_83 = arith.constant 0 : i32
          %dma_wait3A_84 = arith.constant 0 : i32
          %dma_wait3A_85 = tpu.memref_slice %arg2[%dma_wait3A_83, %dma_wait3A_84] : memref<20000x128xf32, #tpu.memory_space<hbm>> -> memref<20000x128xf32, #tpu.memory_space<hbm>>
          tpu.wait_indirect_dma semaphore(%arg10 : memref<!tpu.dma_semaphore, #tpu.memory_space<semaphore_mem>>) src(%dma_wait3A_85 : memref<20000x128xf32, #tpu.memory_space<hbm>>) dst(%arg7 : memref<80x128xf32, #tpu.memory_space<vmem>>)
          %dma_start3A_86 = arith.constant 0 : i32
          %dma_start3A_87 = tpu.memref_slice %arg6[%scan3A_59, %dma_start3A_86] : memref<125x80xi32, #tpu.memory_space<vmem>> -> memref<1x80xi32, #tpu.memory_space<vmem>>
          %dma_start3A_88 = tpu.memref_squeeze %dma_start3A_87 : memref<1x80xi32, #tpu.memory_space<vmem>> -> memref<80xi32, #tpu.memory_space<vmem>>
          %dma_start3A_89 = arith.constant 0 : i32
          %dma_start3A_90 = arith.constant 0 : i32
          %dma_start3A_91 = tpu.memref_slice %arg16[%dma_start3A_89, %dma_start3A_90] : memref<10000x128xf32, #tpu.memory_space<vmem_shared>> -> memref<10000x128xf32, #tpu.memory_space<vmem_shared>>
          tpu.enqueue_indirect_dma source(%arg7 : memref<80x128xf32, #tpu.memory_space<vmem>>) target(%dma_start3A_91 : memref<10000x128xf32, #tpu.memory_space<vmem_shared>>) offsets(%dma_start3A_88 : memref<80xi32, #tpu.memory_space<vmem>>) semaphore(%arg13 : memref<!tpu.dma_semaphore, #tpu.memory_space<semaphore_mem>>) {add = true}
          %ge3A = arith.constant 1 : i32
          %ge3A_92 = arith.cmpi sge, %scan3A_59, %ge3A : i32
          %convert_element_type3A_93 = arith.extui %ge3A_92 : i1 to i32
          %cond3A_94 = arith.constant 0 : i32
          %cond3A_95 = arith.cmpi ne, %convert_element_type3A_93, %cond3A_94 : i32
          scf.if %cond3A_95 {
            %dma_wait3A_103 = arith.constant 0 : i32
            %dma_wait3A_104 = arith.constant 0 : i32
            %dma_wait3A_105 = tpu.memref_slice %arg6[%dma_wait3A_103, %dma_wait3A_104] : memref<125x80xi32, #tpu.memory_space<vmem>> -> memref<1x80xi32, #tpu.memory_space<vmem>>
            %dma_wait3A_106 = tpu.memref_squeeze %dma_wait3A_105 : memref<1x80xi32, #tpu.memory_space<vmem>> -> memref<80xi32, #tpu.memory_space<vmem>>
            %dma_wait3A_107 = arith.constant 0 : i32
            %dma_wait3A_108 = arith.constant 0 : i32
            %dma_wait3A_109 = tpu.memref_slice %arg16[%dma_wait3A_107, %dma_wait3A_108] : memref<10000x128xf32, #tpu.memory_space<vmem_shared>> -> memref<10000x128xf32, #tpu.memory_space<vmem_shared>>
            tpu.wait_indirect_dma semaphore(%arg15 : memref<!tpu.dma_semaphore, #tpu.memory_space<semaphore_mem>>) src(%arg9 : memref<80x128xf32, #tpu.memory_space<vmem>>) dst(%dma_wait3A_109 : memref<10000x128xf32, #tpu.memory_space<vmem_shared>>)
          } else {
          }
          %add3A_96 = arith.constant 3 : i32
          %add3A_97 = arith.addi %scan3A_59, %add3A_96 : i32
          %sub3A = arith.constant 1 : i32
          %sub3A_98 = arith.subi %add3A_97, %sub3A : i32
          %lt3A = arith.constant 125 : i32
          %lt3A_99 = arith.cmpi slt, %sub3A_98, %lt3A : i32
          %convert_element_type3A_100 = arith.extui %lt3A_99 : i1 to i32
          %cond3A_101 = arith.constant 0 : i32
          %cond3A_102 = arith.cmpi ne, %convert_element_type3A_100, %cond3A_101 : i32
          scf.if %cond3A_102 {
            %add3A_103 = arith.constant 3 : i32
            %add3A_104 = arith.addi %scan3A_59, %add3A_103 : i32
            %sub3A_105 = arith.constant 1 : i32
            %sub3A_106 = arith.subi %add3A_104, %sub3A_105 : i32
            %dma_start3A_107 = arith.constant 0 : i32
            %dma_start3A_108 = tpu.memref_slice %arg5[%sub3A_106, %dma_start3A_107] : memref<125x80xi32, #tpu.memory_space<vmem>> -> memref<1x80xi32, #tpu.memory_space<vmem>>
            %dma_start3A_109 = tpu.memref_squeeze %dma_start3A_108 : memref<1x80xi32, #tpu.memory_space<vmem>> -> memref<80xi32, #tpu.memory_space<vmem>>
            %dma_start3A_110 = arith.constant 0 : i32
            %dma_start3A_111 = arith.constant 0 : i32
            %dma_start3A_112 = tpu.memref_slice %arg2[%dma_start3A_110, %dma_start3A_111] : memref<20000x128xf32, #tpu.memory_space<hbm>> -> memref<20000x128xf32, #tpu.memory_space<hbm>>
            tpu.enqueue_indirect_dma source(%dma_start3A_112 : memref<20000x128xf32, #tpu.memory_space<hbm>>) target(%arg9 : memref<80x128xf32, #tpu.memory_space<vmem>>) offsets(%dma_start3A_109 : memref<80xi32, #tpu.memory_space<vmem>>) semaphore(%arg12 : memref<!tpu.dma_semaphore, #tpu.memory_space<semaphore_mem>>)
          } else {
          }
        } else {
        }
        %rem3A_64 = arith.constant 3 : i32
        %rem3A_65 = arith.remsi %scan3A_59, %rem3A_64 : i32
        %eq3A_66 = arith.constant 1 : i32
        %eq3A_67 = arith.cmpi eq, %rem3A_65, %eq3A_66 : i32
        %convert_element_type3A_68 = arith.extui %eq3A_67 : i1 to i32
        %cond3A_69 = arith.constant 0 : i32
        %cond3A_70 = arith.cmpi ne, %convert_element_type3A_68, %cond3A_69 : i32
        scf.if %cond3A_70 {
          %dma_wait3A_79 = arith.constant 0 : i32
          %dma_wait3A_80 = arith.constant 0 : i32
          %dma_wait3A_81 = tpu.memref_slice %arg5[%dma_wait3A_79, %dma_wait3A_80] : memref<125x80xi32, #tpu.memory_space<vmem>> -> memref<1x80xi32, #tpu.memory_space<vmem>>
          %dma_wait3A_82 = tpu.memref_squeeze %dma_wait3A_81 : memref<1x80xi32, #tpu.memory_space<vmem>> -> memref<80xi32, #tpu.memory_space<vmem>>
          %dma_wait3A_83 = arith.constant 0 : i32
          %dma_wait3A_84 = arith.constant 0 : i32
          %dma_wait3A_85 = tpu.memref_slice %arg2[%dma_wait3A_83, %dma_wait3A_84] : memref<20000x128xf32, #tpu.memory_space<hbm>> -> memref<20000x128xf32, #tpu.memory_space<hbm>>
          tpu.wait_indirect_dma semaphore(%arg11 : memref<!tpu.dma_semaphore, #tpu.memory_space<semaphore_mem>>) src(%dma_wait3A_85 : memref<20000x128xf32, #tpu.memory_space<hbm>>) dst(%arg8 : memref<80x128xf32, #tpu.memory_space<vmem>>)
          %dma_start3A_86 = arith.constant 0 : i32
          %dma_start3A_87 = tpu.memref_slice %arg6[%scan3A_59, %dma_start3A_86] : memref<125x80xi32, #tpu.memory_space<vmem>> -> memref<1x80xi32, #tpu.memory_space<vmem>>
          %dma_start3A_88 = tpu.memref_squeeze %dma_start3A_87 : memref<1x80xi32, #tpu.memory_space<vmem>> -> memref<80xi32, #tpu.memory_space<vmem>>
          %dma_start3A_89 = arith.constant 0 : i32
          %dma_start3A_90 = arith.constant 0 : i32
          %dma_start3A_91 = tpu.memref_slice %arg16[%dma_start3A_89, %dma_start3A_90] : memref<10000x128xf32, #tpu.memory_space<vmem_shared>> -> memref<10000x128xf32, #tpu.memory_space<vmem_shared>>
          tpu.enqueue_indirect_dma source(%arg8 : memref<80x128xf32, #tpu.memory_space<vmem>>) target(%dma_start3A_91 : memref<10000x128xf32, #tpu.memory_space<vmem_shared>>) offsets(%dma_start3A_88 : memref<80xi32, #tpu.memory_space<vmem>>) semaphore(%arg14 : memref<!tpu.dma_semaphore, #tpu.memory_space<semaphore_mem>>) {add = true}
          %ge3A = arith.constant 1 : i32
          %ge3A_92 = arith.cmpi sge, %scan3A_59, %ge3A : i32
          %convert_element_type3A_93 = arith.extui %ge3A_92 : i1 to i32
          %cond3A_94 = arith.constant 0 : i32
          %cond3A_95 = arith.cmpi ne, %convert_element_type3A_93, %cond3A_94 : i32
          scf.if %cond3A_95 {
            %dma_wait3A_103 = arith.constant 0 : i32
            %dma_wait3A_104 = arith.constant 0 : i32
            %dma_wait3A_105 = tpu.memref_slice %arg6[%dma_wait3A_103, %dma_wait3A_104] : memref<125x80xi32, #tpu.memory_space<vmem>> -> memref<1x80xi32, #tpu.memory_space<vmem>>
            %dma_wait3A_106 = tpu.memref_squeeze %dma_wait3A_105 : memref<1x80xi32, #tpu.memory_space<vmem>> -> memref<80xi32, #tpu.memory_space<vmem>>
            %dma_wait3A_107 = arith.constant 0 : i32
            %dma_wait3A_108 = arith.constant 0 : i32
            %dma_wait3A_109 = tpu.memref_slice %arg16[%dma_wait3A_107, %dma_wait3A_108] : memref<10000x128xf32, #tpu.memory_space<vmem_shared>> -> memref<10000x128xf32, #tpu.memory_space<vmem_shared>>
            tpu.wait_indirect_dma semaphore(%arg13 : memref<!tpu.dma_semaphore, #tpu.memory_space<semaphore_mem>>) src(%arg7 : memref<80x128xf32, #tpu.memory_space<vmem>>) dst(%dma_wait3A_109 : memref<10000x128xf32, #tpu.memory_space<vmem_shared>>)
          } else {
          }
          %add3A_96 = arith.constant 3 : i32
          %add3A_97 = arith.addi %scan3A_59, %add3A_96 : i32
          %sub3A = arith.constant 1 : i32
          %sub3A_98 = arith.subi %add3A_97, %sub3A : i32
          %lt3A = arith.constant 125 : i32
          %lt3A_99 = arith.cmpi slt, %sub3A_98, %lt3A : i32
          %convert_element_type3A_100 = arith.extui %lt3A_99 : i1 to i32
          %cond3A_101 = arith.constant 0 : i32
          %cond3A_102 = arith.cmpi ne, %convert_element_type3A_100, %cond3A_101 : i32
          scf.if %cond3A_102 {
            %add3A_103 = arith.constant 3 : i32
            %add3A_104 = arith.addi %scan3A_59, %add3A_103 : i32
            %sub3A_105 = arith.constant 1 : i32
            %sub3A_106 = arith.subi %add3A_104, %sub3A_105 : i32
            %dma_start3A_107 = arith.constant 0 : i32
            %dma_start3A_108 = tpu.memref_slice %arg5[%sub3A_106, %dma_start3A_107] : memref<125x80xi32, #tpu.memory_space<vmem>> -> memref<1x80xi32, #tpu.memory_space<vmem>>
            %dma_start3A_109 = tpu.memref_squeeze %dma_start3A_108 : memref<1x80xi32, #tpu.memory_space<vmem>> -> memref<80xi32, #tpu.memory_space<vmem>>
            %dma_start3A_110 = arith.constant 0 : i32
            %dma_start3A_111 = arith.constant 0 : i32
            %dma_start3A_112 = tpu.memref_slice %arg2[%dma_start3A_110, %dma_start3A_111] : memref<20000x128xf32, #tpu.memory_space<hbm>> -> memref<20000x128xf32, #tpu.memory_space<hbm>>
            tpu.enqueue_indirect_dma source(%dma_start3A_112 : memref<20000x128xf32, #tpu.memory_space<hbm>>) target(%arg7 : memref<80x128xf32, #tpu.memory_space<vmem>>) offsets(%dma_start3A_109 : memref<80xi32, #tpu.memory_space<vmem>>) semaphore(%arg10 : memref<!tpu.dma_semaphore, #tpu.memory_space<semaphore_mem>>)
          } else {
          }
        } else {
        }
        %rem3A_71 = arith.constant 3 : i32
        %rem3A_72 = arith.remsi %scan3A_59, %rem3A_71 : i32
        %eq3A_73 = arith.constant 2 : i32
        %eq3A_74 = arith.cmpi eq, %rem3A_72, %eq3A_73 : i32
        %convert_element_type3A_75 = arith.extui %eq3A_74 : i1 to i32
        %cond3A_76 = arith.constant 0 : i32
        %cond3A_77 = arith.cmpi ne, %convert_element_type3A_75, %cond3A_76 : i32
        scf.if %cond3A_77 {
          %dma_wait3A_79 = arith.constant 0 : i32
          %dma_wait3A_80 = arith.constant 0 : i32
          %dma_wait3A_81 = tpu.memref_slice %arg5[%dma_wait3A_79, %dma_wait3A_80] : memref<125x80xi32, #tpu.memory_space<vmem>> -> memref<1x80xi32, #tpu.memory_space<vmem>>
          %dma_wait3A_82 = tpu.memref_squeeze %dma_wait3A_81 : memref<1x80xi32, #tpu.memory_space<vmem>> -> memref<80xi32, #tpu.memory_space<vmem>>
          %dma_wait3A_83 = arith.constant 0 : i32
          %dma_wait3A_84 = arith.constant 0 : i32
          %dma_wait3A_85 = tpu.memref_slice %arg2[%dma_wait3A_83, %dma_wait3A_84] : memref<20000x128xf32, #tpu.memory_space<hbm>> -> memref<20000x128xf32, #tpu.memory_space<hbm>>
          tpu.wait_indirect_dma semaphore(%arg12 : memref<!tpu.dma_semaphore, #tpu.memory_space<semaphore_mem>>) src(%dma_wait3A_85 : memref<20000x128xf32, #tpu.memory_space<hbm>>) dst(%arg9 : memref<80x128xf32, #tpu.memory_space<vmem>>)
          %dma_start3A_86 = arith.constant 0 : i32
          %dma_start3A_87 = tpu.memref_slice %arg6[%scan3A_59, %dma_start3A_86] : memref<125x80xi32, #tpu.memory_space<vmem>> -> memref<1x80xi32, #tpu.memory_space<vmem>>
          %dma_start3A_88 = tpu.memref_squeeze %dma_start3A_87 : memref<1x80xi32, #tpu.memory_space<vmem>> -> memref<80xi32, #tpu.memory_space<vmem>>
          %dma_start3A_89 = arith.constant 0 : i32
          %dma_start3A_90 = arith.constant 0 : i32
          %dma_start3A_91 = tpu.memref_slice %arg16[%dma_start3A_89, %dma_start3A_90] : memref<10000x128xf32, #tpu.memory_space<vmem_shared>> -> memref<10000x128xf32, #tpu.memory_space<vmem_shared>>
          tpu.enqueue_indirect_dma source(%arg9 : memref<80x128xf32, #tpu.memory_space<vmem>>) target(%dma_start3A_91 : memref<10000x128xf32, #tpu.memory_space<vmem_shared>>) offsets(%dma_start3A_88 : memref<80xi32, #tpu.memory_space<vmem>>) semaphore(%arg15 : memref<!tpu.dma_semaphore, #tpu.memory_space<semaphore_mem>>) {add = true}
          %ge3A = arith.constant 1 : i32
          %ge3A_92 = arith.cmpi sge, %scan3A_59, %ge3A : i32
          %convert_element_type3A_93 = arith.extui %ge3A_92 : i1 to i32
          %cond3A_94 = arith.constant 0 : i32
          %cond3A_95 = arith.cmpi ne, %convert_element_type3A_93, %cond3A_94 : i32
          scf.if %cond3A_95 {
            %dma_wait3A_103 = arith.constant 0 : i32
            %dma_wait3A_104 = arith.constant 0 : i32
            %dma_wait3A_105 = tpu.memref_slice %arg6[%dma_wait3A_103, %dma_wait3A_104] : memref<125x80xi32, #tpu.memory_space<vmem>> -> memref<1x80xi32, #tpu.memory_space<vmem>>
            %dma_wait3A_106 = tpu.memref_squeeze %dma_wait3A_105 : memref<1x80xi32, #tpu.memory_space<vmem>> -> memref<80xi32, #tpu.memory_space<vmem>>
            %dma_wait3A_107 = arith.constant 0 : i32
            %dma_wait3A_108 = arith.constant 0 : i32
            %dma_wait3A_109 = tpu.memref_slice %arg16[%dma_wait3A_107, %dma_wait3A_108] : memref<10000x128xf32, #tpu.memory_space<vmem_shared>> -> memref<10000x128xf32, #tpu.memory_space<vmem_shared>>
            tpu.wait_indirect_dma semaphore(%arg14 : memref<!tpu.dma_semaphore, #tpu.memory_space<semaphore_mem>>) src(%arg8 : memref<80x128xf32, #tpu.memory_space<vmem>>) dst(%dma_wait3A_109 : memref<10000x128xf32, #tpu.memory_space<vmem_shared>>)
          } else {
          }
          %add3A_96 = arith.constant 3 : i32
          %add3A_97 = arith.addi %scan3A_59, %add3A_96 : i32
          %sub3A = arith.constant 1 : i32
          %sub3A_98 = arith.subi %add3A_97, %sub3A : i32
          %lt3A = arith.constant 125 : i32
          %lt3A_99 = arith.cmpi slt, %sub3A_98, %lt3A : i32
          %convert_element_type3A_100 = arith.extui %lt3A_99 : i1 to i32
          %cond3A_101 = arith.constant 0 : i32
          %cond3A_102 = arith.cmpi ne, %convert_element_type3A_100, %cond3A_101 : i32
          scf.if %cond3A_102 {
            %add3A_103 = arith.constant 3 : i32
            %add3A_104 = arith.addi %scan3A_59, %add3A_103 : i32
            %sub3A_105 = arith.constant 1 : i32
            %sub3A_106 = arith.subi %add3A_104, %sub3A_105 : i32
            %dma_start3A_107 = arith.constant 0 : i32
            %dma_start3A_108 = tpu.memref_slice %arg5[%sub3A_106, %dma_start3A_107] : memref<125x80xi32, #tpu.memory_space<vmem>> -> memref<1x80xi32, #tpu.memory_space<vmem>>
            %dma_start3A_109 = tpu.memref_squeeze %dma_start3A_108 : memref<1x80xi32, #tpu.memory_space<vmem>> -> memref<80xi32, #tpu.memory_space<vmem>>
            %dma_start3A_110 = arith.constant 0 : i32
            %dma_start3A_111 = arith.constant 0 : i32
            %dma_start3A_112 = tpu.memref_slice %arg2[%dma_start3A_110, %dma_start3A_111] : memref<20000x128xf32, #tpu.memory_space<hbm>> -> memref<20000x128xf32, #tpu.memory_space<hbm>>
            tpu.enqueue_indirect_dma source(%dma_start3A_112 : memref<20000x128xf32, #tpu.memory_space<hbm>>) target(%arg8 : memref<80x128xf32, #tpu.memory_space<vmem>>) offsets(%dma_start3A_109 : memref<80xi32, #tpu.memory_space<vmem>>) semaphore(%arg11 : memref<!tpu.dma_semaphore, #tpu.memory_space<semaphore_mem>>)
          } else {
          }
        } else {
        }
        %scan3A_78 = arith.constant 0 : i32
        scf.yield %scan3A_78 : i32
      }
      %scan3A_50 = arith.constant 125 : i32
      %dma_wait3A_51 = arith.constant 0 : i32
      %dma_wait3A_52 = arith.constant 0 : i32
      %dma_wait3A_53 = tpu.memref_slice %arg6[%dma_wait3A_51, %dma_wait3A_52] : memref<125x80xi32, #tpu.memory_space<vmem>> -> memref<1x80xi32, #tpu.memory_space<vmem>>
      %dma_wait3A_54 = tpu.memref_squeeze %dma_wait3A_53 : memref<1x80xi32, #tpu.memory_space<vmem>> -> memref<80xi32, #tpu.memory_space<vmem>>
      %dma_wait3A_55 = arith.constant 0 : i32
      %dma_wait3A_56 = arith.constant 0 : i32
      %dma_wait3A_57 = tpu.memref_slice %arg16[%dma_wait3A_55, %dma_wait3A_56] : memref<10000x128xf32, #tpu.memory_space<vmem_shared>> -> memref<10000x128xf32, #tpu.memory_space<vmem_shared>>
      tpu.wait_indirect_dma semaphore(%arg14 : memref<!tpu.dma_semaphore, #tpu.memory_space<semaphore_mem>>) src(%arg8 : memref<80x128xf32, #tpu.memory_space<vmem>>) dst(%dma_wait3A_57 : memref<10000x128xf32, #tpu.memory_space<vmem_shared>>)
      %scan3A_58 = arith.constant 0 : i32
      scf.yield %scan3A_58 : i32
    }
    %scan3A_8 = arith.constant 2 : i32
    %barrier3A_9 = arith.constant 0 : index
    tpu.barrier barrier_id(%barrier3A_9)
    %mul3A_10 = arith.constant 10000 : i32
    %mul3A_11 = arith.muli %arg0, %mul3A_10 : i32
    %add3A_12 = arith.addi %mul3A_11, %mul3A_0 : i32
    "tpu.region"() ({
      %run_scoped3A = tpu.sem_alloc : memref<!tpu.dma_semaphore, #tpu.memory_space<semaphore_mem>>
      %dma_start3A = arith.constant 0 : i32
      %dma_start3A_13 = tpu.memref_slice %arg4[%add3A_12, %dma_start3A] : memref<20000x128xf32, #tpu.memory_space<hbm>> -> memref<625x128xf32, #tpu.memory_space<hbm>>
      %dma_start3A_14 = arith.constant 0 : i32
      %dma_start3A_15 = tpu.memref_slice %arg16[%mul3A_0, %dma_start3A_14] : memref<10000x128xf32, #tpu.memory_space<vmem_shared>> -> memref<625x128xf32, #tpu.memory_space<vmem_shared>>
      tpu.enqueue_dma source(%dma_start3A_15 : memref<625x128xf32, #tpu.memory_space<vmem_shared>>) target(%dma_start3A_13 : memref<625x128xf32, #tpu.memory_space<hbm>>) target_semaphore(%run_scoped3A : memref<!tpu.dma_semaphore, #tpu.memory_space<semaphore_mem>>)
      %dma_wait3A = arith.constant 0 : i32
      %dma_wait3A_16 = tpu.memref_slice %arg4[%add3A_12, %dma_wait3A] : memref<20000x128xf32, #tpu.memory_space<hbm>> -> memref<625x128xf32, #tpu.memory_space<hbm>>
      %dma_wait3A_17 = arith.constant 0 : i32
      %dma_wait3A_18 = tpu.memref_slice %arg16[%mul3A_0, %dma_wait3A_17] : memref<10000x128xf32, #tpu.memory_space<vmem_shared>> -> memref<625x128xf32, #tpu.memory_space<vmem_shared>>
      tpu.wait_dma2 semaphore(%run_scoped3A : memref<!tpu.dma_semaphore, #tpu.memory_space<semaphore_mem>>) src(%dma_wait3A_18 : memref<625x128xf32, #tpu.memory_space<vmem_shared>>) dst(%dma_wait3A_16 : memref<625x128xf32, #tpu.memory_space<hbm>>)
      tpu.yield
    }) : () -> ()
    return
  }
}

#map = affine_map<(d0, d1) -> (0, 0)>
#map1 = affine_map<(d0, d1) -> (0, 0, 0)>
module attributes {stable_mosaic.version = 14 : i64} {
  func.func @_prop_kernel(%arg0: i32, %arg1: i32, %arg2: memref<20000x128xf32, #tpu.memory_space<hbm>>, %arg3: memref<3x4000x80xi32, #tpu.memory_space<hbm>>, %arg4: memref<20000x128xf32, #tpu.memory_space<hbm>>, %arg5: memref<125x80xi32, #tpu.memory_space<vmem>>, %arg6: memref<125x80xi32, #tpu.memory_space<vmem>>, %arg7: memref<80x128xf32, #tpu.memory_space<vmem>>, %arg8: memref<80x128xf32, #tpu.memory_space<vmem>>, %arg9: memref<80x128xf32, #tpu.memory_space<vmem>>, %arg10: memref<!tpu.dma_semaphore, #tpu.memory_space<semaphore_mem>>, %arg11: memref<!tpu.dma_semaphore, #tpu.memory_space<semaphore_mem>>, %arg12: memref<!tpu.dma_semaphore, #tpu.memory_space<semaphore_mem>>, %arg13: memref<!tpu.dma_semaphore, #tpu.memory_space<semaphore_mem>>, %arg14: memref<!tpu.dma_semaphore, #tpu.memory_space<semaphore_mem>>, %arg15: memref<!tpu.dma_semaphore, #tpu.memory_space<semaphore_mem>>, %arg16: memref<10000x128xf32, #tpu.memory_space<vmem_shared>>, %arg17: memref<!tpu.dma_semaphore, #tpu.memory_space<semaphore_mem>>) attributes {dimension_semantics = [#tpu.dimension_semantics<core_parallel>, #tpu.dimension_semantics<subcore_parallel>], iteration_bounds = array<i64: 2, 16>, scalar_prefetch = 0 : i64, scratch_operands = 13 : i64, tpu.core_type = #tpu.core_type<sc_vector_subcore>, window_params = [{transform_indices = #map}, {transform_indices = #map1}, {transform_indices = #map}]} {
    %mul3A = arith.constant 625 : i32
    %mul3A_0 = arith.muli %arg1, %mul3A : i32
    %mul3A_1 = arith.constant 10000 : i32
    %mul3A_2 = arith.muli %arg0, %mul3A_1 : i32
    %add3A = arith.addi %mul3A_2, %mul3A_0 : i32
    "tpu.region"() ({
      %run_scoped3A = tpu.sem_alloc : memref<!tpu.dma_semaphore, #tpu.memory_space<semaphore_mem>>
      %dma_start3A = arith.constant 0 : i32
      %dma_start3A_13 = tpu.memref_slice %arg16[%mul3A_0, %dma_start3A] : memref<10000x128xf32, #tpu.memory_space<vmem_shared>> -> memref<625x128xf32, #tpu.memory_space<vmem_shared>>
      %dma_start3A_14 = arith.constant 0 : i32
      %dma_start3A_15 = tpu.memref_slice %arg2[%add3A, %dma_start3A_14] : memref<20000x128xf32, #tpu.memory_space<hbm>> -> memref<625x128xf32, #tpu.memory_space<hbm>>
      tpu.enqueue_dma source(%dma_start3A_15 : memref<625x128xf32, #tpu.memory_space<hbm>>) target(%dma_start3A_13 : memref<625x128xf32, #tpu.memory_space<vmem_shared>>) target_semaphore(%run_scoped3A : memref<!tpu.dma_semaphore, #tpu.memory_space<semaphore_mem>>)
      %dma_wait3A = arith.constant 0 : i32
      %dma_wait3A_16 = tpu.memref_slice %arg16[%mul3A_0, %dma_wait3A] : memref<10000x128xf32, #tpu.memory_space<vmem_shared>> -> memref<625x128xf32, #tpu.memory_space<vmem_shared>>
      %dma_wait3A_17 = arith.constant 0 : i32
      %dma_wait3A_18 = tpu.memref_slice %arg2[%add3A, %dma_wait3A_17] : memref<20000x128xf32, #tpu.memory_space<hbm>> -> memref<625x128xf32, #tpu.memory_space<hbm>>
      tpu.wait_dma2 semaphore(%run_scoped3A : memref<!tpu.dma_semaphore, #tpu.memory_space<semaphore_mem>>) src(%dma_wait3A_18 : memref<625x128xf32, #tpu.memory_space<hbm>>) dst(%dma_wait3A_16 : memref<625x128xf32, #tpu.memory_space<vmem_shared>>)
      tpu.yield
    }) : () -> ()
    %barrier3A = arith.constant 0 : index
    tpu.barrier barrier_id(%barrier3A)
    %scan3A = arith.constant 0 : i32
    %scan3A_3 = arith.constant 0 : i32
    %scan3A_4 = arith.constant 2 : i32
    %scan3A_5 = arith.addi %scan3A_3, %scan3A_4 : i32
    %scan3A_6 = arith.constant 1 : i32
    %scan3A_7 = scf.for %scan3A_13 = %scan3A_3 to %scan3A_5 step %scan3A_6 iter_args(%scan3A_14 = %scan3A) -> (i32)  : i32 {
      %mul3A_15 = arith.constant 250 : i32
      %mul3A_16 = arith.muli %arg1, %mul3A_15 : i32
      %mul3A_17 = arith.constant 125 : i32
      %mul3A_18 = arith.muli %scan3A_13, %mul3A_17 : i32
      %add3A_19 = arith.addi %mul3A_16, %mul3A_18 : i32
      %dma_start3A = arith.constant 0 : i32
      %dma_start3A_20 = tpu.memref_slice %arg3[%arg0, %add3A_19, %dma_start3A] : memref<3x4000x80xi32, #tpu.memory_space<hbm>> -> memref<1x125x80xi32, #tpu.memory_space<hbm>>
      %dma_start3A_21 = tpu.memref_squeeze %dma_start3A_20 : memref<1x125x80xi32, #tpu.memory_space<hbm>> -> memref<125x80xi32, #tpu.memory_space<hbm>>
      %dma_start3A_22 = arith.constant 0 : i32
      %dma_start3A_23 = tpu.memref_slice %arg3[%arg0, %add3A_19, %dma_start3A_22] : memref<3x4000x80xi32, #tpu.memory_space<hbm>> -> memref<1x125x80xi32, #tpu.memory_space<hbm>>
      %dma_start3A_24 = tpu.memref_squeeze %dma_start3A_23 : memref<1x125x80xi32, #tpu.memory_space<hbm>> -> memref<125x80xi32, #tpu.memory_space<hbm>>
      tpu.enqueue_dma source(%dma_start3A_24 : memref<125x80xi32, #tpu.memory_space<hbm>>) target(%arg5 : memref<125x80xi32, #tpu.memory_space<vmem>>) target_semaphore(%arg17 : memref<!tpu.dma_semaphore, #tpu.memory_space<semaphore_mem>>)
      %run_scoped3A = arith.constant 2 : i32
      "tpu.region"() ({
        %run_scoped3A_59 = tpu.sem_alloc : memref<!tpu.dma_semaphore, #tpu.memory_space<semaphore_mem>>
        %dma_start3A_60 = arith.constant 0 : i32
        %dma_start3A_61 = tpu.memref_slice %arg3[%run_scoped3A, %add3A_19, %dma_start3A_60] : memref<3x4000x80xi32, #tpu.memory_space<hbm>> -> memref<1x125x80xi32, #tpu.memory_space<hbm>>
        %dma_start3A_62 = tpu.memref_squeeze %dma_start3A_61 : memref<1x125x80xi32, #tpu.memory_space<hbm>> -> memref<125x80xi32, #tpu.memory_space<hbm>>
        %dma_start3A_63 = arith.constant 0 : i32
        %dma_start3A_64 = tpu.memref_slice %arg3[%run_scoped3A, %add3A_19, %dma_start3A_63] : memref<3x4000x80xi32, #tpu.memory_space<hbm>> -> memref<1x125x80xi32, #tpu.memory_space<hbm>>
        %dma_start3A_65 = tpu.memref_squeeze %dma_start3A_64 : memref<1x125x80xi32, #tpu.memory_space<hbm>> -> memref<125x80xi32, #tpu.memory_space<hbm>>
        tpu.enqueue_dma source(%dma_start3A_65 : memref<125x80xi32, #tpu.memory_space<hbm>>) target(%arg6 : memref<125x80xi32, #tpu.memory_space<vmem>>) target_semaphore(%run_scoped3A_59 : memref<!tpu.dma_semaphore, #tpu.memory_space<semaphore_mem>>)
        %dma_wait3A_66 = arith.constant 0 : i32
        %dma_wait3A_67 = tpu.memref_slice %arg3[%run_scoped3A, %add3A_19, %dma_wait3A_66] : memref<3x4000x80xi32, #tpu.memory_space<hbm>> -> memref<1x125x80xi32, #tpu.memory_space<hbm>>
        %dma_wait3A_68 = tpu.memref_squeeze %dma_wait3A_67 : memref<1x125x80xi32, #tpu.memory_space<hbm>> -> memref<125x80xi32, #tpu.memory_space<hbm>>
        %dma_wait3A_69 = arith.constant 0 : i32
        %dma_wait3A_70 = tpu.memref_slice %arg3[%run_scoped3A, %add3A_19, %dma_wait3A_69] : memref<3x4000x80xi32, #tpu.memory_space<hbm>> -> memref<1x125x80xi32, #tpu.memory_space<hbm>>
        %dma_wait3A_71 = tpu.memref_squeeze %dma_wait3A_70 : memref<1x125x80xi32, #tpu.memory_space<hbm>> -> memref<125x80xi32, #tpu.memory_space<hbm>>
        tpu.wait_dma2 semaphore(%run_scoped3A_59 : memref<!tpu.dma_semaphore, #tpu.memory_space<semaphore_mem>>) src(%dma_wait3A_71 : memref<125x80xi32, #tpu.memory_space<hbm>>) dst(%arg6 : memref<125x80xi32, #tpu.memory_space<vmem>>)
        tpu.yield
      }) : () -> ()
      %dma_wait3A = arith.constant 0 : i32
      %dma_wait3A_25 = tpu.memref_slice %arg3[%arg0, %add3A_19, %dma_wait3A] : memref<3x4000x80xi32, #tpu.memory_space<hbm>> -> memref<1x125x80xi32, #tpu.memory_space<hbm>>
      %dma_wait3A_26 = tpu.memref_squeeze %dma_wait3A_25 : memref<1x125x80xi32, #tpu.memory_space<hbm>> -> memref<125x80xi32, #tpu.memory_space<hbm>>
      %dma_wait3A_27 = arith.constant 0 : i32
      %dma_wait3A_28 = tpu.memref_slice %arg3[%arg0, %add3A_19, %dma_wait3A_27] : memref<3x4000x80xi32, #tpu.memory_space<hbm>> -> memref<1x125x80xi32, #tpu.memory_space<hbm>>
      %dma_wait3A_29 = tpu.memref_squeeze %dma_wait3A_28 : memref<1x125x80xi32, #tpu.memory_space<hbm>> -> memref<125x80xi32, #tpu.memory_space<hbm>>
      tpu.wait_dma2 semaphore(%arg17 : memref<!tpu.dma_semaphore, #tpu.memory_space<semaphore_mem>>) src(%dma_wait3A_29 : memref<125x80xi32, #tpu.memory_space<hbm>>) dst(%arg5 : memref<125x80xi32, #tpu.memory_space<vmem>>)
      %dma_start3A_30 = arith.constant 0 : i32
      %dma_start3A_31 = arith.constant 0 : i32
      %dma_start3A_32 = tpu.memref_slice %arg5[%dma_start3A_30, %dma_start3A_31] : memref<125x80xi32, #tpu.memory_space<vmem>> -> memref<1x80xi32, #tpu.memory_space<vmem>>
      %dma_start3A_33 = tpu.memref_squeeze %dma_start3A_32 : memref<1x80xi32, #tpu.memory_space<vmem>> -> memref<80xi32, #tpu.memory_space<vmem>>
      %dma_start3A_34 = arith.constant 0 : i32
      %dma_start3A_35 = arith.constant 0 : i32
      %dma_start3A_36 = tpu.memref_slice %arg2[%dma_start3A_34, %dma_start3A_35] : memref<20000x128xf32, #tpu.memory_space<hbm>> -> memref<20000x128xf32, #tpu.memory_space<hbm>>
      tpu.enqueue_indirect_dma source(%dma_start3A_36 : memref<20000x128xf32, #tpu.memory_space<hbm>>) target(%arg7 : memref<80x128xf32, #tpu.memory_space<vmem>>) offsets(%dma_start3A_33 : memref<80xi32, #tpu.memory_space<vmem>>) semaphore(%arg10 : memref<!tpu.dma_semaphore, #tpu.memory_space<semaphore_mem>>)
      %dma_start3A_37 = arith.constant 1 : i32
      %dma_start3A_38 = arith.constant 0 : i32
      %dma_start3A_39 = tpu.memref_slice %arg5[%dma_start3A_37, %dma_start3A_38] : memref<125x80xi32, #tpu.memory_space<vmem>> -> memref<1x80xi32, #tpu.memory_space<vmem>>
      %dma_start3A_40 = tpu.memref_squeeze %dma_start3A_39 : memref<1x80xi32, #tpu.memory_space<vmem>> -> memref<80xi32, #tpu.memory_space<vmem>>
      %dma_start3A_41 = arith.constant 0 : i32
      %dma_start3A_42 = arith.constant 0 : i32
      %dma_start3A_43 = tpu.memref_slice %arg2[%dma_start3A_41, %dma_start3A_42] : memref<20000x128xf32, #tpu.memory_space<hbm>> -> memref<20000x128xf32, #tpu.memory_space<hbm>>
      tpu.enqueue_indirect_dma source(%dma_start3A_43 : memref<20000x128xf32, #tpu.memory_space<hbm>>) target(%arg8 : memref<80x128xf32, #tpu.memory_space<vmem>>) offsets(%dma_start3A_40 : memref<80xi32, #tpu.memory_space<vmem>>) semaphore(%arg11 : memref<!tpu.dma_semaphore, #tpu.memory_space<semaphore_mem>>)
      %scan3A_44 = arith.constant 0 : i32
      %scan3A_45 = arith.constant 0 : i32
      %scan3A_46 = arith.constant 125 : i32
      %scan3A_47 = arith.addi %scan3A_45, %scan3A_46 : i32
      %scan3A_48 = arith.constant 1 : i32
      %scan3A_49 = scf.for %scan3A_59 = %scan3A_45 to %scan3A_47 step %scan3A_48 iter_args(%scan3A_60 = %scan3A_44) -> (i32)  : i32 {
        %rem3A = arith.constant 3 : i32
        %rem3A_61 = arith.remsi %scan3A_59, %rem3A : i32
        %eq3A = arith.constant 0 : i32
        %eq3A_62 = arith.cmpi eq, %rem3A_61, %eq3A : i32
        %convert_element_type3A = arith.extui %eq3A_62 : i1 to i32
        %cond3A = arith.constant 0 : i32
        %cond3A_63 = arith.cmpi ne, %convert_element_type3A, %cond3A : i32
        scf.if %cond3A_63 {
          %dma_wait3A_79 = arith.constant 0 : i32
          %dma_wait3A_80 = arith.constant 0 : i32
          %dma_wait3A_81 = tpu.memref_slice %arg5[%dma_wait3A_79, %dma_wait3A_80] : memref<125x80xi32, #tpu.memory_space<vmem>> -> memref<1x80xi32, #tpu.memory_space<vmem>>
          %dma_wait3A_82 = tpu.memref_squeeze %dma_wait3A_81 : memref<1x80xi32, #tpu.memory_space<vmem>> -> memref<80xi32, #tpu.memory_space<vmem>>
          %dma_wait3A_83 = arith.constant 0 : i32
          %dma_wait3A_84 = arith.constant 0 : i32
          %dma_wait3A_85 = tpu.memref_slice %arg2[%dma_wait3A_83, %dma_wait3A_84] : memref<20000x128xf32, #tpu.memory_space<hbm>> -> memref<20000x128xf32, #tpu.memory_space<hbm>>
          tpu.wait_indirect_dma semaphore(%arg10 : memref<!tpu.dma_semaphore, #tpu.memory_space<semaphore_mem>>) src(%dma_wait3A_85 : memref<20000x128xf32, #tpu.memory_space<hbm>>) dst(%arg7 : memref<80x128xf32, #tpu.memory_space<vmem>>)
          %dma_start3A_86 = arith.constant 0 : i32
          %dma_start3A_87 = tpu.memref_slice %arg6[%scan3A_59, %dma_start3A_86] : memref<125x80xi32, #tpu.memory_space<vmem>> -> memref<1x80xi32, #tpu.memory_space<vmem>>
          %dma_start3A_88 = tpu.memref_squeeze %dma_start3A_87 : memref<1x80xi32, #tpu.memory_space<vmem>> -> memref<80xi32, #tpu.memory_space<vmem>>
          %dma_start3A_89 = arith.constant 0 : i32
          %dma_start3A_90 = arith.constant 0 : i32
          %dma_start3A_91 = tpu.memref_slice %arg16[%dma_start3A_89, %dma_start3A_90] : memref<10000x128xf32, #tpu.memory_space<vmem_shared>> -> memref<10000x128xf32, #tpu.memory_space<vmem_shared>>
          tpu.enqueue_indirect_dma source(%arg7 : memref<80x128xf32, #tpu.memory_space<vmem>>) target(%dma_start3A_91 : memref<10000x128xf32, #tpu.memory_space<vmem_shared>>) offsets(%dma_start3A_88 : memref<80xi32, #tpu.memory_space<vmem>>) semaphore(%arg13 : memref<!tpu.dma_semaphore, #tpu.memory_space<semaphore_mem>>) {add = true}
          %ge3A = arith.constant 1 : i32
          %ge3A_92 = arith.cmpi sge, %scan3A_59, %ge3A : i32
          %convert_element_type3A_93 = arith.extui %ge3A_92 : i1 to i32
          %cond3A_94 = arith.constant 0 : i32
          %cond3A_95 = arith.cmpi ne, %convert_element_type3A_93, %cond3A_94 : i32
          scf.if %cond3A_95 {
            %dma_wait3A_103 = arith.constant 0 : i32
            %dma_wait3A_104 = arith.constant 0 : i32
            %dma_wait3A_105 = tpu.memref_slice %arg6[%dma_wait3A_103, %dma_wait3A_104] : memref<125x80xi32, #tpu.memory_space<vmem>> -> memref<1x80xi32, #tpu.memory_space<vmem>>
            %dma_wait3A_106 = tpu.memref_squeeze %dma_wait3A_105 : memref<1x80xi32, #tpu.memory_space<vmem>> -> memref<80xi32, #tpu.memory_space<vmem>>
            %dma_wait3A_107 = arith.constant 0 : i32
            %dma_wait3A_108 = arith.constant 0 : i32
            %dma_wait3A_109 = tpu.memref_slice %arg16[%dma_wait3A_107, %dma_wait3A_108] : memref<10000x128xf32, #tpu.memory_space<vmem_shared>> -> memref<10000x128xf32, #tpu.memory_space<vmem_shared>>
            tpu.wait_indirect_dma semaphore(%arg15 : memref<!tpu.dma_semaphore, #tpu.memory_space<semaphore_mem>>) src(%arg9 : memref<80x128xf32, #tpu.memory_space<vmem>>) dst(%dma_wait3A_109 : memref<10000x128xf32, #tpu.memory_space<vmem_shared>>)
          } else {
          }
          %add3A_96 = arith.constant 3 : i32
          %add3A_97 = arith.addi %scan3A_59, %add3A_96 : i32
          %sub3A = arith.constant 1 : i32
          %sub3A_98 = arith.subi %add3A_97, %sub3A : i32
          %lt3A = arith.constant 125 : i32
          %lt3A_99 = arith.cmpi slt, %sub3A_98, %lt3A : i32
          %convert_element_type3A_100 = arith.extui %lt3A_99 : i1 to i32
          %cond3A_101 = arith.constant 0 : i32
          %cond3A_102 = arith.cmpi ne, %convert_element_type3A_100, %cond3A_101 : i32
          scf.if %cond3A_102 {
            %add3A_103 = arith.constant 3 : i32
            %add3A_104 = arith.addi %scan3A_59, %add3A_103 : i32
            %sub3A_105 = arith.constant 1 : i32
            %sub3A_106 = arith.subi %add3A_104, %sub3A_105 : i32
            %dma_start3A_107 = arith.constant 0 : i32
            %dma_start3A_108 = tpu.memref_slice %arg5[%sub3A_106, %dma_start3A_107] : memref<125x80xi32, #tpu.memory_space<vmem>> -> memref<1x80xi32, #tpu.memory_space<vmem>>
            %dma_start3A_109 = tpu.memref_squeeze %dma_start3A_108 : memref<1x80xi32, #tpu.memory_space<vmem>> -> memref<80xi32, #tpu.memory_space<vmem>>
            %dma_start3A_110 = arith.constant 0 : i32
            %dma_start3A_111 = arith.constant 0 : i32
            %dma_start3A_112 = tpu.memref_slice %arg2[%dma_start3A_110, %dma_start3A_111] : memref<20000x128xf32, #tpu.memory_space<hbm>> -> memref<20000x128xf32, #tpu.memory_space<hbm>>
            tpu.enqueue_indirect_dma source(%dma_start3A_112 : memref<20000x128xf32, #tpu.memory_space<hbm>>) target(%arg9 : memref<80x128xf32, #tpu.memory_space<vmem>>) offsets(%dma_start3A_109 : memref<80xi32, #tpu.memory_space<vmem>>) semaphore(%arg12 : memref<!tpu.dma_semaphore, #tpu.memory_space<semaphore_mem>>)
          } else {
          }
        } else {
        }
        %rem3A_64 = arith.constant 3 : i32
        %rem3A_65 = arith.remsi %scan3A_59, %rem3A_64 : i32
        %eq3A_66 = arith.constant 1 : i32
        %eq3A_67 = arith.cmpi eq, %rem3A_65, %eq3A_66 : i32
        %convert_element_type3A_68 = arith.extui %eq3A_67 : i1 to i32
        %cond3A_69 = arith.constant 0 : i32
        %cond3A_70 = arith.cmpi ne, %convert_element_type3A_68, %cond3A_69 : i32
        scf.if %cond3A_70 {
          %dma_wait3A_79 = arith.constant 0 : i32
          %dma_wait3A_80 = arith.constant 0 : i32
          %dma_wait3A_81 = tpu.memref_slice %arg5[%dma_wait3A_79, %dma_wait3A_80] : memref<125x80xi32, #tpu.memory_space<vmem>> -> memref<1x80xi32, #tpu.memory_space<vmem>>
          %dma_wait3A_82 = tpu.memref_squeeze %dma_wait3A_81 : memref<1x80xi32, #tpu.memory_space<vmem>> -> memref<80xi32, #tpu.memory_space<vmem>>
          %dma_wait3A_83 = arith.constant 0 : i32
          %dma_wait3A_84 = arith.constant 0 : i32
          %dma_wait3A_85 = tpu.memref_slice %arg2[%dma_wait3A_83, %dma_wait3A_84] : memref<20000x128xf32, #tpu.memory_space<hbm>> -> memref<20000x128xf32, #tpu.memory_space<hbm>>
          tpu.wait_indirect_dma semaphore(%arg11 : memref<!tpu.dma_semaphore, #tpu.memory_space<semaphore_mem>>) src(%dma_wait3A_85 : memref<20000x128xf32, #tpu.memory_space<hbm>>) dst(%arg8 : memref<80x128xf32, #tpu.memory_space<vmem>>)
          %dma_start3A_86 = arith.constant 0 : i32
          %dma_start3A_87 = tpu.memref_slice %arg6[%scan3A_59, %dma_start3A_86] : memref<125x80xi32, #tpu.memory_space<vmem>> -> memref<1x80xi32, #tpu.memory_space<vmem>>
          %dma_start3A_88 = tpu.memref_squeeze %dma_start3A_87 : memref<1x80xi32, #tpu.memory_space<vmem>> -> memref<80xi32, #tpu.memory_space<vmem>>
          %dma_start3A_89 = arith.constant 0 : i32
          %dma_start3A_90 = arith.constant 0 : i32
          %dma_start3A_91 = tpu.memref_slice %arg16[%dma_start3A_89, %dma_start3A_90] : memref<10000x128xf32, #tpu.memory_space<vmem_shared>> -> memref<10000x128xf32, #tpu.memory_space<vmem_shared>>
          tpu.enqueue_indirect_dma source(%arg8 : memref<80x128xf32, #tpu.memory_space<vmem>>) target(%dma_start3A_91 : memref<10000x128xf32, #tpu.memory_space<vmem_shared>>) offsets(%dma_start3A_88 : memref<80xi32, #tpu.memory_space<vmem>>) semaphore(%arg14 : memref<!tpu.dma_semaphore, #tpu.memory_space<semaphore_mem>>) {add = true}
          %ge3A = arith.constant 1 : i32
          %ge3A_92 = arith.cmpi sge, %scan3A_59, %ge3A : i32
          %convert_element_type3A_93 = arith.extui %ge3A_92 : i1 to i32
          %cond3A_94 = arith.constant 0 : i32
          %cond3A_95 = arith.cmpi ne, %convert_element_type3A_93, %cond3A_94 : i32
          scf.if %cond3A_95 {
            %dma_wait3A_103 = arith.constant 0 : i32
            %dma_wait3A_104 = arith.constant 0 : i32
            %dma_wait3A_105 = tpu.memref_slice %arg6[%dma_wait3A_103, %dma_wait3A_104] : memref<125x80xi32, #tpu.memory_space<vmem>> -> memref<1x80xi32, #tpu.memory_space<vmem>>
            %dma_wait3A_106 = tpu.memref_squeeze %dma_wait3A_105 : memref<1x80xi32, #tpu.memory_space<vmem>> -> memref<80xi32, #tpu.memory_space<vmem>>
            %dma_wait3A_107 = arith.constant 0 : i32
            %dma_wait3A_108 = arith.constant 0 : i32
            %dma_wait3A_109 = tpu.memref_slice %arg16[%dma_wait3A_107, %dma_wait3A_108] : memref<10000x128xf32, #tpu.memory_space<vmem_shared>> -> memref<10000x128xf32, #tpu.memory_space<vmem_shared>>
            tpu.wait_indirect_dma semaphore(%arg13 : memref<!tpu.dma_semaphore, #tpu.memory_space<semaphore_mem>>) src(%arg7 : memref<80x128xf32, #tpu.memory_space<vmem>>) dst(%dma_wait3A_109 : memref<10000x128xf32, #tpu.memory_space<vmem_shared>>)
          } else {
          }
          %add3A_96 = arith.constant 3 : i32
          %add3A_97 = arith.addi %scan3A_59, %add3A_96 : i32
          %sub3A = arith.constant 1 : i32
          %sub3A_98 = arith.subi %add3A_97, %sub3A : i32
          %lt3A = arith.constant 125 : i32
          %lt3A_99 = arith.cmpi slt, %sub3A_98, %lt3A : i32
          %convert_element_type3A_100 = arith.extui %lt3A_99 : i1 to i32
          %cond3A_101 = arith.constant 0 : i32
          %cond3A_102 = arith.cmpi ne, %convert_element_type3A_100, %cond3A_101 : i32
          scf.if %cond3A_102 {
            %add3A_103 = arith.constant 3 : i32
            %add3A_104 = arith.addi %scan3A_59, %add3A_103 : i32
            %sub3A_105 = arith.constant 1 : i32
            %sub3A_106 = arith.subi %add3A_104, %sub3A_105 : i32
            %dma_start3A_107 = arith.constant 0 : i32
            %dma_start3A_108 = tpu.memref_slice %arg5[%sub3A_106, %dma_start3A_107] : memref<125x80xi32, #tpu.memory_space<vmem>> -> memref<1x80xi32, #tpu.memory_space<vmem>>
            %dma_start3A_109 = tpu.memref_squeeze %dma_start3A_108 : memref<1x80xi32, #tpu.memory_space<vmem>> -> memref<80xi32, #tpu.memory_space<vmem>>
            %dma_start3A_110 = arith.constant 0 : i32
            %dma_start3A_111 = arith.constant 0 : i32
            %dma_start3A_112 = tpu.memref_slice %arg2[%dma_start3A_110, %dma_start3A_111] : memref<20000x128xf32, #tpu.memory_space<hbm>> -> memref<20000x128xf32, #tpu.memory_space<hbm>>
            tpu.enqueue_indirect_dma source(%dma_start3A_112 : memref<20000x128xf32, #tpu.memory_space<hbm>>) target(%arg7 : memref<80x128xf32, #tpu.memory_space<vmem>>) offsets(%dma_start3A_109 : memref<80xi32, #tpu.memory_space<vmem>>) semaphore(%arg10 : memref<!tpu.dma_semaphore, #tpu.memory_space<semaphore_mem>>)
          } else {
          }
        } else {
        }
        %rem3A_71 = arith.constant 3 : i32
        %rem3A_72 = arith.remsi %scan3A_59, %rem3A_71 : i32
        %eq3A_73 = arith.constant 2 : i32
        %eq3A_74 = arith.cmpi eq, %rem3A_72, %eq3A_73 : i32
        %convert_element_type3A_75 = arith.extui %eq3A_74 : i1 to i32
        %cond3A_76 = arith.constant 0 : i32
        %cond3A_77 = arith.cmpi ne, %convert_element_type3A_75, %cond3A_76 : i32
        scf.if %cond3A_77 {
          %dma_wait3A_79 = arith.constant 0 : i32
          %dma_wait3A_80 = arith.constant 0 : i32
          %dma_wait3A_81 = tpu.memref_slice %arg5[%dma_wait3A_79, %dma_wait3A_80] : memref<125x80xi32, #tpu.memory_space<vmem>> -> memref<1x80xi32, #tpu.memory_space<vmem>>
          %dma_wait3A_82 = tpu.memref_squeeze %dma_wait3A_81 : memref<1x80xi32, #tpu.memory_space<vmem>> -> memref<80xi32, #tpu.memory_space<vmem>>
          %dma_wait3A_83 = arith.constant 0 : i32
          %dma_wait3A_84 = arith.constant 0 : i32
          %dma_wait3A_85 = tpu.memref_slice %arg2[%dma_wait3A_83, %dma_wait3A_84] : memref<20000x128xf32, #tpu.memory_space<hbm>> -> memref<20000x128xf32, #tpu.memory_space<hbm>>
          tpu.wait_indirect_dma semaphore(%arg12 : memref<!tpu.dma_semaphore, #tpu.memory_space<semaphore_mem>>) src(%dma_wait3A_85 : memref<20000x128xf32, #tpu.memory_space<hbm>>) dst(%arg9 : memref<80x128xf32, #tpu.memory_space<vmem>>)
          %dma_start3A_86 = arith.constant 0 : i32
          %dma_start3A_87 = tpu.memref_slice %arg6[%scan3A_59, %dma_start3A_86] : memref<125x80xi32, #tpu.memory_space<vmem>> -> memref<1x80xi32, #tpu.memory_space<vmem>>
          %dma_start3A_88 = tpu.memref_squeeze %dma_start3A_87 : memref<1x80xi32, #tpu.memory_space<vmem>> -> memref<80xi32, #tpu.memory_space<vmem>>
          %dma_start3A_89 = arith.constant 0 : i32
          %dma_start3A_90 = arith.constant 0 : i32
          %dma_start3A_91 = tpu.memref_slice %arg16[%dma_start3A_89, %dma_start3A_90] : memref<10000x128xf32, #tpu.memory_space<vmem_shared>> -> memref<10000x128xf32, #tpu.memory_space<vmem_shared>>
          tpu.enqueue_indirect_dma source(%arg9 : memref<80x128xf32, #tpu.memory_space<vmem>>) target(%dma_start3A_91 : memref<10000x128xf32, #tpu.memory_space<vmem_shared>>) offsets(%dma_start3A_88 : memref<80xi32, #tpu.memory_space<vmem>>) semaphore(%arg15 : memref<!tpu.dma_semaphore, #tpu.memory_space<semaphore_mem>>) {add = true}
          %ge3A = arith.constant 1 : i32
          %ge3A_92 = arith.cmpi sge, %scan3A_59, %ge3A : i32
          %convert_element_type3A_93 = arith.extui %ge3A_92 : i1 to i32
          %cond3A_94 = arith.constant 0 : i32
          %cond3A_95 = arith.cmpi ne, %convert_element_type3A_93, %cond3A_94 : i32
          scf.if %cond3A_95 {
            %dma_wait3A_103 = arith.constant 0 : i32
            %dma_wait3A_104 = arith.constant 0 : i32
            %dma_wait3A_105 = tpu.memref_slice %arg6[%dma_wait3A_103, %dma_wait3A_104] : memref<125x80xi32, #tpu.memory_space<vmem>> -> memref<1x80xi32, #tpu.memory_space<vmem>>
            %dma_wait3A_106 = tpu.memref_squeeze %dma_wait3A_105 : memref<1x80xi32, #tpu.memory_space<vmem>> -> memref<80xi32, #tpu.memory_space<vmem>>
            %dma_wait3A_107 = arith.constant 0 : i32
            %dma_wait3A_108 = arith.constant 0 : i32
            %dma_wait3A_109 = tpu.memref_slice %arg16[%dma_wait3A_107, %dma_wait3A_108] : memref<10000x128xf32, #tpu.memory_space<vmem_shared>> -> memref<10000x128xf32, #tpu.memory_space<vmem_shared>>
            tpu.wait_indirect_dma semaphore(%arg14 : memref<!tpu.dma_semaphore, #tpu.memory_space<semaphore_mem>>) src(%arg8 : memref<80x128xf32, #tpu.memory_space<vmem>>) dst(%dma_wait3A_109 : memref<10000x128xf32, #tpu.memory_space<vmem_shared>>)
          } else {
          }
          %add3A_96 = arith.constant 3 : i32
          %add3A_97 = arith.addi %scan3A_59, %add3A_96 : i32
          %sub3A = arith.constant 1 : i32
          %sub3A_98 = arith.subi %add3A_97, %sub3A : i32
          %lt3A = arith.constant 125 : i32
          %lt3A_99 = arith.cmpi slt, %sub3A_98, %lt3A : i32
          %convert_element_type3A_100 = arith.extui %lt3A_99 : i1 to i32
          %cond3A_101 = arith.constant 0 : i32
          %cond3A_102 = arith.cmpi ne, %convert_element_type3A_100, %cond3A_101 : i32
          scf.if %cond3A_102 {
            %add3A_103 = arith.constant 3 : i32
            %add3A_104 = arith.addi %scan3A_59, %add3A_103 : i32
            %sub3A_105 = arith.constant 1 : i32
            %sub3A_106 = arith.subi %add3A_104, %sub3A_105 : i32
            %dma_start3A_107 = arith.constant 0 : i32
            %dma_start3A_108 = tpu.memref_slice %arg5[%sub3A_106, %dma_start3A_107] : memref<125x80xi32, #tpu.memory_space<vmem>> -> memref<1x80xi32, #tpu.memory_space<vmem>>
            %dma_start3A_109 = tpu.memref_squeeze %dma_start3A_108 : memref<1x80xi32, #tpu.memory_space<vmem>> -> memref<80xi32, #tpu.memory_space<vmem>>
            %dma_start3A_110 = arith.constant 0 : i32
            %dma_start3A_111 = arith.constant 0 : i32
            %dma_start3A_112 = tpu.memref_slice %arg2[%dma_start3A_110, %dma_start3A_111] : memref<20000x128xf32, #tpu.memory_space<hbm>> -> memref<20000x128xf32, #tpu.memory_space<hbm>>
            tpu.enqueue_indirect_dma source(%dma_start3A_112 : memref<20000x128xf32, #tpu.memory_space<hbm>>) target(%arg8 : memref<80x128xf32, #tpu.memory_space<vmem>>) offsets(%dma_start3A_109 : memref<80xi32, #tpu.memory_space<vmem>>) semaphore(%arg11 : memref<!tpu.dma_semaphore, #tpu.memory_space<semaphore_mem>>)
          } else {
          }
        } else {
        }
        %scan3A_78 = arith.constant 0 : i32
        scf.yield %scan3A_78 : i32
      }
      %scan3A_50 = arith.constant 125 : i32
      %dma_wait3A_51 = arith.constant 0 : i32
      %dma_wait3A_52 = arith.constant 0 : i32
      %dma_wait3A_53 = tpu.memref_slice %arg6[%dma_wait3A_51, %dma_wait3A_52] : memref<125x80xi32, #tpu.memory_space<vmem>> -> memref<1x80xi32, #tpu.memory_space<vmem>>
      %dma_wait3A_54 = tpu.memref_squeeze %dma_wait3A_53 : memref<1x80xi32, #tpu.memory_space<vmem>> -> memref<80xi32, #tpu.memory_space<vmem>>
      %dma_wait3A_55 = arith.constant 0 : i32
      %dma_wait3A_56 = arith.constant 0 : i32
      %dma_wait3A_57 = tpu.memref_slice %arg16[%dma_wait3A_55, %dma_wait3A_56] : memref<10000x128xf32, #tpu.memory_space<vmem_shared>> -> memref<10000x128xf32, #tpu.memory_space<vmem_shared>>
      tpu.wait_indirect_dma semaphore(%arg14 : memref<!tpu.dma_semaphore, #tpu.memory_space<semaphore_mem>>) src(%arg8 : memref<80x128xf32, #tpu.memory_space<vmem>>) dst(%dma_wait3A_57 : memref<10000x128xf32, #tpu.memory_space<vmem_shared>>)
      %scan3A_58 = arith.constant 0 : i32
      scf.yield %scan3A_58 : i32
    }
    %scan3A_8 = arith.constant 2 : i32
    %barrier3A_9 = arith.constant 0 : index
    tpu.barrier barrier_id(%barrier3A_9)
    %mul3A_10 = arith.constant 10000 : i32
    %mul3A_11 = arith.muli %arg0, %mul3A_10 : i32
    %add3A_12 = arith.addi %mul3A_11, %mul3A_0 : i32
    "tpu.region"() ({
      %run_scoped3A = tpu.sem_alloc : memref<!tpu.dma_semaphore, #tpu.memory_space<semaphore_mem>>
      %dma_start3A = arith.constant 0 : i32
      %dma_start3A_13 = tpu.memref_slice %arg4[%add3A_12, %dma_start3A] : memref<20000x128xf32, #tpu.memory_space<hbm>> -> memref<625x128xf32, #tpu.memory_space<hbm>>
      %dma_start3A_14 = arith.constant 0 : i32
      %dma_start3A_15 = tpu.memref_slice %arg16[%mul3A_0, %dma_start3A_14] : memref<10000x128xf32, #tpu.memory_space<vmem_shared>> -> memref<625x128xf32, #tpu.memory_space<vmem_shared>>
      tpu.enqueue_dma source(%dma_start3A_15 : memref<625x128xf32, #tpu.memory_space<vmem_shared>>) target(%dma_start3A_13 : memref<625x128xf32, #tpu.memory_space<hbm>>) target_semaphore(%run_scoped3A : memref<!tpu.dma_semaphore, #tpu.memory_space<semaphore_mem>>)
      %dma_wait3A = arith.constant 0 : i32
      %dma_wait3A_16 = tpu.memref_slice %arg4[%add3A_12, %dma_wait3A] : memref<20000x128xf32, #tpu.memory_space<hbm>> -> memref<625x128xf32, #tpu.memory_space<hbm>>
      %dma_wait3A_17 = arith.constant 0 : i32
      %dma_wait3A_18 = tpu.memref_slice %arg16[%mul3A_0, %dma_wait3A_17] : memref<10000x128xf32, #tpu.memory_space<vmem_shared>> -> memref<625x128xf32, #tpu.memory_space<vmem_shared>>
      tpu.wait_dma2 semaphore(%run_scoped3A : memref<!tpu.dma_semaphore, #tpu.memory_space<semaphore_mem>>) src(%dma_wait3A_18 : memref<625x128xf32, #tpu.memory_space<vmem_shared>>) dst(%dma_wait3A_16 : memref<625x128xf32, #tpu.memory_space<hbm>>)
      tpu.yield
    }) : () -> ()
    return
  }
}

module attributes {stable_mosaic.version = 14 : i64} {
  func.func @_mm1_body(%arg0: i32, %arg1: i32, %arg2: memref<10000x128xf32, #tpu.memory_space<vmem>>, %arg3: memref<128x128xf32, #tpu.memory_space<vmem>>, %arg4: memref<10000x32xf32, #tpu.memory_space<vmem>>, %arg5: memref<10000x128xf32, #tpu.memory_space<vmem>>) attributes {dimension_semantics = [#tpu.dimension_semantics<arbitrary>, #tpu.dimension_semantics<arbitrary>], iteration_bounds = array<i64: 1, 2>, scalar_prefetch = 0 : i64, scratch_operands = 0 : i64, tpu.core_type = #tpu.core_type<tc>, window_params = [{transform_indices = @transform_0, window_bounds = array<i64: 10000, 128>}, {transform_indices = @transform_1, window_bounds = array<i64: 128, 128>}, {transform_indices = @transform_2, window_bounds = array<i64: 10000, 32>}, {transform_indices = @transform_3, window_bounds = array<i64: 10000, 128>}]} {
    %get3A = arith.constant 0 : index
    %get3A_0 = arith.constant 0 : index
    %get3A_1 = vector.load %arg4[%get3A, %get3A_0] : memref<10000x32xf32, #tpu.memory_space<vmem>>, vector<10000x32xf32>
    %reduce_sum3A = arith.constant dense<0.000000e+00> : vector<10000xf32>
    %reduce_sum3A_2 = vector.multi_reduction <add>, %get3A_1, %reduce_sum3A [1] : vector<10000x32xf32> to vector<10000xf32>
    %broadcast_in_dim3A = vector.shape_cast %reduce_sum3A_2 : vector<10000xf32> to vector<10000x1xf32>
    %add3A = arith.constant 1.000000e+00 : f32
    %add3A_3 = vector.broadcast %add3A : f32 to vector<10000x1xf32>
    %add3A_4 = arith.addf %broadcast_in_dim3A, %add3A_3 : vector<10000x1xf32>
    %rsqrt3A = math.rsqrt %add3A_4 : vector<10000x1xf32>
    %get3A_5 = arith.constant 0 : index
    %get3A_6 = arith.constant 0 : index
    %get3A_7 = vector.load %arg2[%get3A_5, %get3A_6] : memref<10000x128xf32, #tpu.memory_space<vmem>>, vector<10000x128xf32>
    %get3A_8 = arith.constant 0 : index
    %get3A_9 = arith.constant 0 : index
    %get3A_10 = vector.load %arg3[%get3A_8, %get3A_9] : memref<128x128xf32, #tpu.memory_space<vmem>>, vector<128x128xf32>
    %dot_general3A = arith.constant dense<0.000000e+00> : vector<10000x128xf32>
    %dot_general3A_11 = tpu.matmul %get3A_7, %get3A_10, %dot_general3A {dimension_numbers = #tpu.dot_dimension_numbers<[1], [0], [0], [1], [0, 0, 1, 1], [], []>, transpose_lhs_hint = false} : vector<10000x128xf32>, vector<128x128xf32>, vector<10000x128xf32> -> vector<10000x128xf32>
    %mul3A = vector.broadcast %rsqrt3A : vector<10000x1xf32> to vector<10000x128xf32>
    %mul3A_12 = arith.mulf %dot_general3A_11, %mul3A : vector<10000x128xf32>
    %swap3A = arith.constant 0 : index
    %swap3A_13 = arith.constant 0 : index
    %swap3A_14 = vector.load %arg5[%swap3A, %swap3A_13] : memref<10000x128xf32, #tpu.memory_space<vmem>>, vector<10000x128xf32>
    tpu.vector_store %arg5[%swap3A, %swap3A_13], %mul3A_12 {strides = array<i32>} : memref<10000x128xf32, #tpu.memory_space<vmem>>, vector<10000x128xf32>,
    return
  }
  func.func @transform_0(%arg0: i32, %arg1: i32) -> (i32, i32) {
    %c0_i32 = arith.constant 0 : i32
    %c0_i32_0 = arith.constant 0 : i32
    return %arg0, %c0_i32 : i32, i32
  }
  func.func @transform_1(%arg0: i32, %arg1: i32) -> (i32, i32) {
    %c0_i32 = arith.constant 0 : i32
    %c0_i32_0 = arith.constant 0 : i32
    return %c0_i32, %arg1 : i32, i32
  }
  func.func @transform_2(%arg0: i32, %arg1: i32) -> (i32, i32) {
    %c0_i32 = arith.constant 0 : i32
    %c0_i32_0 = arith.constant 0 : i32
    return %arg0, %c0_i32 : i32, i32
  }
  func.func @transform_3(%arg0: i32, %arg1: i32) -> (i32, i32) {
    %mul3A = arith.constant 1 : i32
    %mul3A_0 = arith.muli %arg1, %mul3A : i32
    %add3A = arith.addi %mul3A_0, %arg0 : i32
    %c0_i32 = arith.constant 0 : i32
    %c0_i32_1 = arith.constant 0 : i32
    return %add3A, %c0_i32 : i32, i32
  }
}

module attributes {stable_mosaic.version = 14 : i64} {
  func.func @_mm2_body(%arg0: i32, %arg1: i32, %arg2: memref<10000x128xf32, #tpu.memory_space<vmem>>, %arg3: memref<10000x128xf32, #tpu.memory_space<vmem>>, %arg4: memref<128x128xf32, #tpu.memory_space<vmem>>, %arg5: memref<128x128xf32, #tpu.memory_space<vmem>>, %arg6: memref<1x1x128xf32, #tpu.memory_space<vmem>>, %arg7: memref<1x1x128xf32, #tpu.memory_space<vmem>>, %arg8: memref<10000x32xf32, #tpu.memory_space<vmem>>, %arg9: memref<10000x128xf32, #tpu.memory_space<vmem>>) attributes {dimension_semantics = [#tpu.dimension_semantics<arbitrary>, #tpu.dimension_semantics<arbitrary>], iteration_bounds = array<i64: 1, 2>, scalar_prefetch = 0 : i64, scratch_operands = 0 : i64, tpu.core_type = #tpu.core_type<tc>, window_params = [{transform_indices = @transform_0, window_bounds = array<i64: 10000, 128>}, {transform_indices = @transform_1, window_bounds = array<i64: 10000, 128>}, {transform_indices = @transform_2, window_bounds = array<i64: 128, 128>}, {transform_indices = @transform_3, window_bounds = array<i64: 128, 128>}, {transform_indices = @transform_4, window_bounds = array<i64: 1, 1, 128>}, {transform_indices = @transform_5, window_bounds = array<i64: 1, 1, 128>}, {transform_indices = @transform_6, window_bounds = array<i64: 10000, 32>}, {transform_indices = @transform_7, window_bounds = array<i64: 10000, 128>}]} {
    %get3A = arith.constant 0 : index
    %get3A_0 = arith.constant 0 : index
    %get3A_1 = vector.load %arg8[%get3A, %get3A_0] : memref<10000x32xf32, #tpu.memory_space<vmem>>, vector<10000x32xf32>
    %reduce_sum3A = arith.constant dense<0.000000e+00> : vector<10000xf32>
    %reduce_sum3A_2 = vector.multi_reduction <add>, %get3A_1, %reduce_sum3A [1] : vector<10000x32xf32> to vector<10000xf32>
    %broadcast_in_dim3A = vector.shape_cast %reduce_sum3A_2 : vector<10000xf32> to vector<10000x1xf32>
    %add3A = arith.constant 1.000000e+00 : f32
    %add3A_3 = vector.broadcast %add3A : f32 to vector<10000x1xf32>
    %add3A_4 = arith.addf %broadcast_in_dim3A, %add3A_3 : vector<10000x1xf32>
    %rsqrt3A = math.rsqrt %add3A_4 : vector<10000x1xf32>
    %get3A_5 = arith.constant 0 : index
    %get3A_6 = arith.constant 0 : index
    %get3A_7 = vector.load %arg2[%get3A_5, %get3A_6] : memref<10000x128xf32, #tpu.memory_space<vmem>>, vector<10000x128xf32>
    %mul3A = vector.broadcast %rsqrt3A : vector<10000x1xf32> to vector<10000x128xf32>
    %mul3A_8 = arith.mulf %get3A_7, %mul3A : vector<10000x128xf32>
    %get3A_9 = arith.constant 0 : index
    %get3A_10 = arith.constant 0 : index
    %get3A_11 = arith.constant 0 : index
    %get3A_12 = vector.load %arg6[%get3A_9, %get3A_10, %get3A_11] : memref<1x1x128xf32, #tpu.memory_space<vmem>>, vector<1x1x128xf32>
    %get3A_13 = vector.shape_cast %get3A_12 : vector<1x1x128xf32> to vector<1x128xf32>
    %add3A_14 = vector.broadcast %get3A_13 : vector<1x128xf32> to vector<10000x128xf32>
    %add3A_15 = arith.addf %mul3A_8, %add3A_14 : vector<10000x128xf32>
    %max3A = arith.constant 0.000000e+00 : f32
    %max3A_16 = vector.broadcast %max3A : f32 to vector<10000x128xf32>
    %max3A_17 = arith.maximumf %add3A_15, %max3A_16 : vector<10000x128xf32>
    %get3A_18 = arith.constant 0 : index
    %get3A_19 = arith.constant 0 : index
    %get3A_20 = vector.load %arg3[%get3A_18, %get3A_19] : memref<10000x128xf32, #tpu.memory_space<vmem>>, vector<10000x128xf32>
    %mul3A_21 = vector.broadcast %rsqrt3A : vector<10000x1xf32> to vector<10000x128xf32>
    %mul3A_22 = arith.mulf %get3A_20, %mul3A_21 : vector<10000x128xf32>
    %get3A_23 = arith.constant 0 : index
    %get3A_24 = arith.constant 0 : index
    %get3A_25 = arith.constant 0 : index
    %get3A_26 = vector.load %arg7[%get3A_23, %get3A_24, %get3A_25] : memref<1x1x128xf32, #tpu.memory_space<vmem>>, vector<1x1x128xf32>
    %get3A_27 = vector.shape_cast %get3A_26 : vector<1x1x128xf32> to vector<1x128xf32>
    %add3A_28 = vector.broadcast %get3A_27 : vector<1x128xf32> to vector<10000x128xf32>
    %add3A_29 = arith.addf %mul3A_22, %add3A_28 : vector<10000x128xf32>
    %max3A_30 = arith.constant 0.000000e+00 : f32
    %max3A_31 = vector.broadcast %max3A_30 : f32 to vector<10000x128xf32>
    %max3A_32 = arith.maximumf %add3A_29, %max3A_31 : vector<10000x128xf32>
    %get3A_33 = arith.constant 0 : index
    %get3A_34 = arith.constant 0 : index
    %get3A_35 = vector.load %arg4[%get3A_33, %get3A_34] : memref<128x128xf32, #tpu.memory_space<vmem>>, vector<128x128xf32>
    %dot_general3A = arith.constant dense<0.000000e+00> : vector<10000x128xf32>
    %dot_general3A_36 = tpu.matmul %max3A_17, %get3A_35, %dot_general3A {dimension_numbers = #tpu.dot_dimension_numbers<[1], [0], [0], [1], [0, 0, 1, 1], [], []>, transpose_lhs_hint = false} : vector<10000x128xf32>, vector<128x128xf32>, vector<10000x128xf32> -> vector<10000x128xf32>
    %get3A_37 = arith.constant 0 : index
    %get3A_38 = arith.constant 0 : index
    %get3A_39 = vector.load %arg5[%get3A_37, %get3A_38] : memref<128x128xf32, #tpu.memory_space<vmem>>, vector<128x128xf32>
    %dot_general3A_40 = arith.constant dense<0.000000e+00> : vector<10000x128xf32>
    %dot_general3A_41 = tpu.matmul %max3A_32, %get3A_39, %dot_general3A_40 {dimension_numbers = #tpu.dot_dimension_numbers<[1], [0], [0], [1], [0, 0, 1, 1], [], []>, transpose_lhs_hint = false} : vector<10000x128xf32>, vector<128x128xf32>, vector<10000x128xf32> -> vector<10000x128xf32>
    %add3A_42 = arith.addf %dot_general3A_36, %dot_general3A_41 : vector<10000x128xf32>
    %mul3A_43 = vector.broadcast %rsqrt3A : vector<10000x1xf32> to vector<10000x128xf32>
    %mul3A_44 = arith.mulf %add3A_42, %mul3A_43 : vector<10000x128xf32>
    %swap3A = arith.constant 0 : index
    %swap3A_45 = arith.constant 0 : index
    %swap3A_46 = vector.load %arg9[%swap3A, %swap3A_45] : memref<10000x128xf32, #tpu.memory_space<vmem>>, vector<10000x128xf32>
    tpu.vector_store %arg9[%swap3A, %swap3A_45], %mul3A_44 {strides = array<i32>} : memref<10000x128xf32, #tpu.memory_space<vmem>>, vector<10000x128xf32>,
    return
  }
  func.func @transform_0(%arg0: i32, %arg1: i32) -> (i32, i32) {
    %c0_i32 = arith.constant 0 : i32
    %c0_i32_0 = arith.constant 0 : i32
    return %arg0, %c0_i32 : i32, i32
  }
  func.func @transform_1(%arg0: i32, %arg1: i32) -> (i32, i32) {
    %add3A = arith.constant 1 : i32
    %add3A_0 = arith.addi %add3A, %arg0 : i32
    %c0_i32 = arith.constant 0 : i32
    %c0_i32_1 = arith.constant 0 : i32
    return %add3A_0, %c0_i32 : i32, i32
  }
  func.func @transform_2(%arg0: i32, %arg1: i32) -> (i32, i32) {
    %c0_i32 = arith.constant 0 : i32
    %c0_i32_0 = arith.constant 0 : i32
    return %c0_i32, %arg1 : i32, i32
  }
  func.func @transform_3(%arg0: i32, %arg1: i32) -> (i32, i32) {
    %c1_i32 = arith.constant 1 : i32
    %c0_i32 = arith.constant 0 : i32
    return %c1_i32, %arg1 : i32, i32
  }
  func.func @transform_4(%arg0: i32, %arg1: i32) -> (i32, i32, i32) {
    %c0_i32 = arith.constant 0 : i32
    %c0_i32_0 = arith.constant 0 : i32
    %c0_i32_1 = arith.constant 0 : i32
    %c0_i32_2 = arith.constant 0 : i32
    return %c0_i32, %c0_i32_0, %c0_i32_1 : i32, i32, i32
  }
  func.func @transform_5(%arg0: i32, %arg1: i32) -> (i32, i32, i32) {
    %c1_i32 = arith.constant 1 : i32
    %c0_i32 = arith.constant 0 : i32
    %c0_i32_0 = arith.constant 0 : i32
    %c0_i32_1 = arith.constant 0 : i32
    return %c1_i32, %c0_i32, %c0_i32_0 : i32, i32, i32
  }
  func.func @transform_6(%arg0: i32, %arg1: i32) -> (i32, i32) {
    %c0_i32 = arith.constant 0 : i32
    %c0_i32_0 = arith.constant 0 : i32
    return %arg0, %c0_i32 : i32, i32
  }
  func.func @transform_7(%arg0: i32, %arg1: i32) -> (i32, i32) {
    %mul3A = arith.constant 1 : i32
    %mul3A_0 = arith.muli %arg1, %mul3A : i32
    %add3A = arith.addi %mul3A_0, %arg0 : i32
    %c0_i32 = arith.constant 0 : i32
    %c0_i32_1 = arith.constant 0 : i32
    return %add3A, %c0_i32 : i32, i32
  }
}

module attributes {stable_mosaic.version = 14 : i64} {
  func.func @_mm3_body(%arg0: i32, %arg1: memref<10000x128xf32, #tpu.memory_space<vmem>>, %arg2: memref<10000x128xf32, #tpu.memory_space<vmem>>, %arg3: memref<128x1xf32, #tpu.memory_space<vmem>>, %arg4: memref<128x1xf32, #tpu.memory_space<vmem>>, %arg5: memref<1x1x128xf32, #tpu.memory_space<vmem>>, %arg6: memref<1x1x128xf32, #tpu.memory_space<vmem>>, %arg7: memref<1x1xf32, #tpu.memory_space<vmem>>, %arg8: memref<10000x32xf32, #tpu.memory_space<vmem>>, %arg9: memref<10000x1xf32, #tpu.memory_space<vmem>>) attributes {dimension_semantics = [#tpu.dimension_semantics<arbitrary>], iteration_bounds = array<i64: 1>, scalar_prefetch = 0 : i64, scratch_operands = 0 : i64, tpu.core_type = #tpu.core_type<tc>, window_params = [{transform_indices = @transform_0, window_bounds = array<i64: 10000, 128>}, {transform_indices = @transform_1, window_bounds = array<i64: 10000, 128>}, {transform_indices = @transform_2, window_bounds = array<i64: 128, 1>}, {transform_indices = @transform_3, window_bounds = array<i64: 128, 1>}, {transform_indices = @transform_4, window_bounds = array<i64: 1, 1, 128>}, {transform_indices = @transform_5, window_bounds = array<i64: 1, 1, 128>}, {pipeline_mode = #tpu.pipeline_mode<synchronous>, transform_indices = @transform_6, window_bounds = array<i64: 1, 1>}, {transform_indices = @transform_7, window_bounds = array<i64: 10000, 32>}, {transform_indices = @transform_8, window_bounds = array<i64: 10000, 1>}]} {
    %get3A = arith.constant 0 : index
    %get3A_0 = arith.constant 0 : index
    %get3A_1 = vector.load %arg8[%get3A, %get3A_0] : memref<10000x32xf32, #tpu.memory_space<vmem>>, vector<10000x32xf32>
    %reduce_sum3A = arith.constant dense<0.000000e+00> : vector<10000xf32>
    %reduce_sum3A_2 = vector.multi_reduction <add>, %get3A_1, %reduce_sum3A [1] : vector<10000x32xf32> to vector<10000xf32>
    %broadcast_in_dim3A = vector.shape_cast %reduce_sum3A_2 : vector<10000xf32> to vector<10000x1xf32>
    %add3A = arith.constant 1.000000e+00 : f32
    %add3A_3 = vector.broadcast %add3A : f32 to vector<10000x1xf32>
    %add3A_4 = arith.addf %broadcast_in_dim3A, %add3A_3 : vector<10000x1xf32>
    %rsqrt3A = math.rsqrt %add3A_4 : vector<10000x1xf32>
    %get3A_5 = arith.constant 0 : index
    %get3A_6 = arith.constant 0 : index
    %get3A_7 = vector.load %arg1[%get3A_5, %get3A_6] : memref<10000x128xf32, #tpu.memory_space<vmem>>, vector<10000x128xf32>
    %mul3A = vector.broadcast %rsqrt3A : vector<10000x1xf32> to vector<10000x128xf32>
    %mul3A_8 = arith.mulf %get3A_7, %mul3A : vector<10000x128xf32>
    %get3A_9 = arith.constant 0 : index
    %get3A_10 = arith.constant 0 : index
    %get3A_11 = arith.constant 0 : index
    %get3A_12 = vector.load %arg5[%get3A_9, %get3A_10, %get3A_11] : memref<1x1x128xf32, #tpu.memory_space<vmem>>, vector<1x1x128xf32>
    %get3A_13 = vector.shape_cast %get3A_12 : vector<1x1x128xf32> to vector<1x128xf32>
    %add3A_14 = vector.broadcast %get3A_13 : vector<1x128xf32> to vector<10000x128xf32>
    %add3A_15 = arith.addf %mul3A_8, %add3A_14 : vector<10000x128xf32>
    %max3A = arith.constant 0.000000e+00 : f32
    %max3A_16 = vector.broadcast %max3A : f32 to vector<10000x128xf32>
    %max3A_17 = arith.maximumf %add3A_15, %max3A_16 : vector<10000x128xf32>
    %get3A_18 = arith.constant 0 : index
    %get3A_19 = arith.constant 0 : index
    %get3A_20 = vector.load %arg2[%get3A_18, %get3A_19] : memref<10000x128xf32, #tpu.memory_space<vmem>>, vector<10000x128xf32>
    %mul3A_21 = vector.broadcast %rsqrt3A : vector<10000x1xf32> to vector<10000x128xf32>
    %mul3A_22 = arith.mulf %get3A_20, %mul3A_21 : vector<10000x128xf32>
    %get3A_23 = arith.constant 0 : index
    %get3A_24 = arith.constant 0 : index
    %get3A_25 = arith.constant 0 : index
    %get3A_26 = vector.load %arg6[%get3A_23, %get3A_24, %get3A_25] : memref<1x1x128xf32, #tpu.memory_space<vmem>>, vector<1x1x128xf32>
    %get3A_27 = vector.shape_cast %get3A_26 : vector<1x1x128xf32> to vector<1x128xf32>
    %add3A_28 = vector.broadcast %get3A_27 : vector<1x128xf32> to vector<10000x128xf32>
    %add3A_29 = arith.addf %mul3A_22, %add3A_28 : vector<10000x128xf32>
    %max3A_30 = arith.constant 0.000000e+00 : f32
    %max3A_31 = vector.broadcast %max3A_30 : f32 to vector<10000x128xf32>
    %max3A_32 = arith.maximumf %add3A_29, %max3A_31 : vector<10000x128xf32>
    %get3A_33 = arith.constant 0 : index
    %get3A_34 = arith.constant 0 : index
    %get3A_35 = vector.load %arg3[%get3A_33, %get3A_34] : memref<128x1xf32, #tpu.memory_space<vmem>>, vector<128x1xf32>
    %dot_general3A = arith.constant dense<0.000000e+00> : vector<10000x1xf32>
    %dot_general3A_36 = tpu.matmul %max3A_17, %get3A_35, %dot_general3A {dimension_numbers = #tpu.dot_dimension_numbers<[1], [0], [0], [1], [0, 0, 1, 1], [], []>, transpose_lhs_hint = false} : vector<10000x128xf32>, vector<128x1xf32>, vector<10000x1xf32> -> vector<10000x1xf32>
    %get3A_37 = arith.constant 0 : index
    %get3A_38 = arith.constant 0 : index
    %get3A_39 = vector.load %arg4[%get3A_37, %get3A_38] : memref<128x1xf32, #tpu.memory_space<vmem>>, vector<128x1xf32>
    %dot_general3A_40 = arith.constant dense<0.000000e+00> : vector<10000x1xf32>
    %dot_general3A_41 = tpu.matmul %max3A_32, %get3A_39, %dot_general3A_40 {dimension_numbers = #tpu.dot_dimension_numbers<[1], [0], [0], [1], [0, 0, 1, 1], [], []>, transpose_lhs_hint = false} : vector<10000x128xf32>, vector<128x1xf32>, vector<10000x1xf32> -> vector<10000x1xf32>
    %add3A_42 = arith.addf %dot_general3A_36, %dot_general3A_41 : vector<10000x1xf32>
    %get3A_43 = arith.constant 0 : index
    %get3A_44 = arith.constant 0 : index
    %get3A_45 = vector.load %arg7[%get3A_43, %get3A_44] : memref<1x1xf32, #tpu.memory_space<vmem>>, vector<1x1xf32>
    %add3A_46 = vector.broadcast %get3A_45 : vector<1x1xf32> to vector<10000x1xf32>
    %add3A_47 = arith.addf %add3A_42, %add3A_46 : vector<10000x1xf32>
    %swap3A = arith.constant 0 : index
    %swap3A_48 = arith.constant 0 : index
    %swap3A_49 = vector.load %arg9[%swap3A, %swap3A_48] : memref<10000x1xf32, #tpu.memory_space<vmem>>, vector<10000x1xf32>
    tpu.vector_store %arg9[%swap3A, %swap3A_48], %add3A_47 {strides = array<i32>} : memref<10000x1xf32, #tpu.memory_space<vmem>>, vector<10000x1xf32>,
    return
  }
  func.func @transform_0(%arg0: i32) -> (i32, i32) {
    %c0_i32 = arith.constant 0 : i32
    %c0_i32_0 = arith.constant 0 : i32
    return %arg0, %c0_i32 : i32, i32
  }
  func.func @transform_1(%arg0: i32) -> (i32, i32) {
    %add3A = arith.constant 1 : i32
    %add3A_0 = arith.addi %add3A, %arg0 : i32
    %c0_i32 = arith.constant 0 : i32
    %c0_i32_1 = arith.constant 0 : i32
    return %add3A_0, %c0_i32 : i32, i32
  }
  func.func @transform_2(%arg0: i32) -> (i32, i32) {
    %c0_i32 = arith.constant 0 : i32
    %c0_i32_0 = arith.constant 0 : i32
    %c0_i32_1 = arith.constant 0 : i32
    return %c0_i32, %c0_i32_0 : i32, i32
  }
  func.func @transform_3(%arg0: i32) -> (i32, i32) {
    %c1_i32 = arith.constant 1 : i32
    %c0_i32 = arith.constant 0 : i32
    %c0_i32_0 = arith.constant 0 : i32
    return %c1_i32, %c0_i32 : i32, i32
  }
  func.func @transform_4(%arg0: i32) -> (i32, i32, i32) {
    %c0_i32 = arith.constant 0 : i32
    %c0_i32_0 = arith.constant 0 : i32
    %c0_i32_1 = arith.constant 0 : i32
    %c0_i32_2 = arith.constant 0 : i32
    return %c0_i32, %c0_i32_0, %c0_i32_1 : i32, i32, i32
  }
  func.func @transform_5(%arg0: i32) -> (i32, i32, i32) {
    %c1_i32 = arith.constant 1 : i32
    %c0_i32 = arith.constant 0 : i32
    %c0_i32_0 = arith.constant 0 : i32
    %c0_i32_1 = arith.constant 0 : i32
    return %c1_i32, %c0_i32, %c0_i32_0 : i32, i32, i32
  }
  func.func @transform_6(%arg0: i32) -> (i32, i32) {
    %c0_i32 = arith.constant 0 : i32
    %c0_i32_0 = arith.constant 0 : i32
    %c0_i32_1 = arith.constant 0 : i32
    return %c0_i32, %c0_i32_0 : i32, i32
  }
  func.func @transform_7(%arg0: i32) -> (i32, i32) {
    %c0_i32 = arith.constant 0 : i32
    %c0_i32_0 = arith.constant 0 : i32
    return %arg0, %c0_i32 : i32, i32
  }
  func.func @transform_8(%arg0: i32) -> (i32, i32) {
    %c0_i32 = arith.constant 0 : i32
    %c0_i32_0 = arith.constant 0 : i32
    return %arg0, %c0_i32 : i32, i32
  }
}

</mosaic_0001>

<sc_bundles>
// kernel: kernel.11.cloned.1.call-start
scs
__scs_entry_jumppad:
0x0: {  	(pc) =	sbr.rel $0x88, $3  }
0x1: {  	(tag) =	ssettag $0x0;
	lr =	simm.s32 $0x1  }
0x2: {  	[smem:$0x3F99] =	sst lr;
	_ =	strace $0xD0000000  }
0x3: {  	_ = 	snop  }
0x4: {  	_ = 	snop  }
0x5: {  	_ = 	snop  }
0x6: {  	_ = 	snop  }
0x7: {  	_ = 	snop  }
__scs_overlays_trampoline_lowered:
0x8: {  	[smem:$0x3FA8] =	sst s0  }
0x9: {  	[smem:$0x3FA9] =	sst s1  }
0xa: {  	[smem:$0x3FAA] =	sst s2  }
0xb: {  	[smem:$0x3FAB] =	sst s3  }
0xc: {  	[smem:$0x3FAC] =	sst s4  }
0xd: {  	[smem:$0x3FAD] =	sst s5  }
0xe: {  	[smem:$0x3FAE] =	sst s6  }
0xf: {  	[smem:$0x3FAF] =	sst s7  }
0x10: {  	[smem:$0x3FB0] =	sst s8  }
0x11: {  	[smem:$0x3FB1] =	sst s9;
	s0 =	simm.s32 @!p0 $0x0  }
0x12: {  	s1 =	sld [smem:$0x3F97];
	s0 =	simm.s32 @p0 $0x1  }
0x13: {  	[smem:$0x3FB2] =	sst s0;
	s0 =	simm.s32 @!p1 $0x0  }
0x14: {  	s2 =	sld [smem:$0x3F96];
	s0 =	simm.s32 @p1 $0x1  }
0x15: {  	[smem:$0x3FB3] =	sst s0;
	s0 =	simm.s32 @!p2 $0x0  }
0x16: {  	s3 =	sld [smem:$0x3FDB];
	s0 =	simm.s32 @p2 $0x1  }
0x17: {  	s4 =	simm.s32 $0x1BF5;
	[smem:$0x3FB5] =	sst s0  }
0x18: {  	s0 =	sld [smem:$0x3F98];
	_ =	swait.ge [sflag:s4], $0x0  }
0x19: {  	s7 =	sld [smem:$0x3F99]  }
0x1a: {  	s8 =	sadd.s32 $0xFFFFE003, lr  }
0x1b: {  	s9 =	sadd.s32 $0xFFFFFEF7, lr;
	s5 =	simm.s32 $0xFFFFFFFF;
	p2 =	slt.u32 s8, $0xFFFFF086  }
0x1c: {  	p1 =	slt.u32 s9, $0xF7A;
	s5 =	simm.s32 @!p2 $0x0  }
0x1d: {  	s5 =	simm.s32 @p1 $0x1;
	p0 =	seq.s32 s7, s2  }
0x1e: {  	s7 =	smul.u32 @!p0 $0xF7A, s2;
	p2 =	seq.s32 @!p0 s5, $0x0  }
0x1f: {  	s9 =	smul.u32 $0xF7A, s1;
	s8 =	simm.s32 @!p0 $0x1BF5;
	p2 =	por !p2, p0  }
0x20: {  	[sflag:s8] =	ssyncset.s32 @!p0 $0xFFFFF086;
	s6 =	sadd.s32 @!p0 s3, s7;
	s7 =	simm.s32 @!p0 $0x108  }
0x21: {  	s3 =	sadd.s32 s3, s9;
	s6 =	sadd.s32 @!p0 $0x88, s6;
	s7 =	simm.s32 @p2 $0x1082  }
0x22: {  	[simem:s7], [sflag:s8] =	dma.local @!p0 [hbm:s6], $0xF7A  }
0x23: {  	s9 =	sor.u32 $0xD0000000, s2;
	s6 =	simm.s32 $0x108;
	_ =	swait.ge @!p0 [sflag:s8], $0x0  }
0x24: {  	s3 =	sadd.s32 $0x88, s3;
	s6 =	simm.s32 @!p1 $0x1082;
	[sflag:s4] =	ssyncset.s32 $0xFFFFF086  }
0x25: {  	[simem:s6], [sflag:s4] =	dma.local [hbm:s3], $0xF7A  }
0x26: {  	[smem:$0x3F99] =	sst s1;
	(tag) =	ssettag s2;
	_ =	strace s9  }
0x27: {  	s1 =	sld [smem:$0x3FA9]  }
0x28: {  	s2 =	sld [smem:$0x3FAA]  }
0x29: {  	s4 =	sld [smem:$0x3FAC]  }
0x2a: {  	p0 =	seq.s32 s5, $0x0;
	s5 =	sld [smem:$0x3FAD]  }
0x2b: {  	s6 =	sld [smem:$0x3FAE]  }
0x2c: {  	s7 =	sld [smem:$0x3FAF]  }
0x2d: {  	s3 =	simm.s32 $0x108;
	s8 =	sld [smem:$0x3FB0]  }
0x2e: {  	s3 =	simm.s32 @!p0 $0x1082;
	s9 =	sld [smem:$0x3FB1]  }
0x2f: {  	lr =	sadd.s32 s0, s3;
	s0 =	sld [smem:$0x3FA8]  }
0x30: {  	s3 =	sld [smem:$0x3FAB]  }
0x31: {  	[smem:$0x3FB4] =	sst s10  }
0x32: {  	s10 =	sld [smem:$0x3FB2];
	_ =	sdelay $0x3  }
0x33: {  	p0 =	seq.s32 s10, $0x1;
	s10 =	sld [smem:$0x3FB4];
	_ =	sdelay $0x3  }
0x34: {  	[smem:$0x3FB4] =	sst s10  }
0x35: {  	s10 =	sld [smem:$0x3FB3];
	_ =	sdelay $0x3  }
0x36: {  	p1 =	seq.s32 s10, $0x1;
	s10 =	sld [smem:$0x3FB4];
	_ =	sdelay $0x3  }
0x37: {  	[smem:$0x3FB4] =	sst s10  }
0x38: {  	s10 =	sld [smem:$0x3FB5]  }
0x39: {  	_ = 	snop;
	(pc) =	sbr.ind lr, $3  }
0x3a: {  	_ = 	snop  }
0x3b: {  	_ = 	snop  }
0x3c: {  	p2 =	seq.s32 s10, $0x1;
	s10 =	sld [smem:$0x3FB4]  }
0x3d: {  	_ =	shalt  }
0x3e: {  	_ =	shalt  }
0x3f: {  	_ =	shalt  }
0x40: {  	_ =	shalt  }
0x41: {  	_ =	shalt  }
0x42: {  	_ =	shalt  }
0x43: {  	_ =	shalt  }
0x44: {  	_ =	shalt  }
0x45: {  	_ =	shalt  }
0x46: {  	_ =	shalt  }
0x47: {  	_ =	shalt  }
0x48: {  	_ =	shalt  }
0x49: {  	_ =	shalt  }
0x4a: {  	_ =	shalt  }
0x4b: {  	_ =	shalt  }
0x4c: {  	_ =	shalt  }
0x4d: {  	_ =	shalt  }
0x4e: {  	_ =	shalt  }
0x4f: {  	_ =	shalt  }
0x50: {  	_ =	shalt  }
0x51: {  	_ =	shalt  }
0x52: {  	_ =	shalt  }
0x53: {  	_ =	shalt  }
0x54: {  	_ =	shalt  }
0x55: {  	_ =	shalt  }
0x56: {  	_ =	shalt  }
0x57: {  	_ =	shalt  }
0x58: {  	_ =	shalt  }
0x59: {  	_ =	shalt  }
0x5a: {  	_ =	shalt  }
0x5b: {  	_ =	shalt  }
0x5c: {  	_ =	shalt  }
0x5d: {  	_ =	shalt  }
0x5e: {  	_ =	shalt  }
0x5f: {  	_ =	shalt  }
0x60: {  	_ =	shalt  }
0x61: {  	_ =	shalt  }
0x62: {  	_ =	shalt  }
0x63: {  	_ =	shalt  }
0x64: {  	_ =	shalt  }
0x65: {  	_ =	shalt  }
0x66: {  	_ =	shalt  }
0x67: {  	_ =	shalt  }
0x68: {  	_ =	shalt  }
0x69: {  	_ =	shalt  }
0x6a: {  	_ =	shalt  }
0x6b: {  	_ =	shalt  }
0x6c: {  	_ =	shalt  }
0x6d: {  	_ =	shalt  }
0x6e: {  	_ =	shalt  }
0x6f: {  	_ =	shalt  }
0x70: {  	_ =	shalt  }
0x71: {  	_ =	shalt  }
0x72: {  	_ =	shalt  }
0x73: {  	_ =	shalt  }
0x74: {  	_ =	shalt  }
0x75: {  	_ =	shalt  }
0x76: {  	_ =	shalt  }
0x77: {  	_ =	shalt  }
0x78: {  	_ =	shalt  }
0x79: {  	_ =	shalt  }
0x7a: {  	_ =	shalt  }
0x7b: {  	_ =	shalt  }
0x7c: {  	_ =	shalt  }
0x7d: {  	_ =	shalt  }
0x7e: {  	_ =	shalt  }
0x7f: {  	_ =	shalt  }
0x80: {  	_ =	shalt  }
0x81: {  	_ =	shalt  }
0x82: {  	_ =	shalt  }
0x83: {  	_ =	shalt  }
0x84: {  	_ =	shalt  }
0x85: {  	_ =	shalt  }
0x86: {  	_ =	shalt  }
0x87: {  	_ =	shalt  }
.Lfunc_end0:
.L_simem_size_0:
called_computation.1_lowered:
.L_overlay_start_0:
0x88: {  	s2 =	sld [smem:$0x3FD9]  }
0x89: {  	s3 =	sld [smem:$0x3FFE];
	_ =	sdelay $0x1  }
0x8a: {  	s1 =	srdreg.scid  }
0x8b: {  	s0 =	sand.u32 $0x1, s1  }
0x8c: {  	s16 =	sshll.u32 s0, $0xA;
	s2 =	sadd.s32 s3, s2  }
0x8d: {  	s2 =	sadd.s32 s2, s16  }
0x8e: {  	[smem:$0x3FC0] =	sst s2  }
0x8f: {  	_ = 	snop  }
0x90: {  	(tm) =	ssettm $0x1  }
0x91: {  	s17 =	sld [smem:$0x3FFB];
	_ =	sdelay $0x3  }
0x92: {  	_ =	strace s17  }
0x93: {  	s2 =	sld [smem:$0x3FFC];
	_ =	sdelay $0x3  }
0x94: {  	_ =	strace s2  }
0x95: {  	s2 =	sld [smem:$0x3FFD];
	_ =	sdelay $0x3  }
0x96: {  	_ =	strace s2  }
0x97: {  	_ =	strace $0x8FFFFFFF  }
0x98: {  	s18 =	sld [smem:$0x3FDB];
	_ =	sdelay $0x1  }
0x99: {  	s19 =	simm.s32 $_scs_section_size  }
0x9a: {  	s4 =	simm.s32 $_size__tile_overlayer_lowered;
	s5 =	simm.s32 $_tile_overlayer_lowered  }
0x9b: {  	s22 =	simm.s32 $0x1BFF;
	s21 =	sshll.u32 s5, $0x1;
	s2 =	sadd.s32 s19, s18  }
0x9c: {  	s6 =	simm.s32 $0x0;
	s20 =	sshll.u32 s4, $0x1;
	s4 =	sadd.s32 s21, s2  }
0x9d: {  	[timem:s6], [sflag:s22] =	dma.local [hbm:s4], s20  }
0x9e: {  	_ =	swait.ge [sflag:s22], s20  }
0x9f: {  	s3 =	ssub.s32 $0x0, s20;
	[sflag:s22] =	ssyncset.done $0x0  }
0xa0: {  	[sflag:s22] =	ssyncadd.s32 s3;
	_ =	sdelay $0x1  }
0xa1: {  	s23 =	simm.s32 $0x1B8B  }
0xa2: {  	_ =	swait.ge [sflag:s23], $0x1  }
0xa3: {  	[sflag:s23] =	ssyncset.done $0x0  }
0xa4: {  	s25 =	simm.s32 $0x1B8E;
	s24 =	sld [smem:$0x3FFE];
	[sflag:s23] =	ssyncadd.s32 $0xFFFFFFFF  }
0xa5: {  	s26 =	simm.s32 $execute0_lowered;
	[smem:$0x3FD2] =	sst s25  }
0xa6: {  	s4 =	sshll.u32 s26, $0x1;
	_ =	strace $0x80000049;
	[dreg:$0x1] =	wrdreg $0xFFFFFFFF  }
0xa7: {  	s28 =	simm.s32 $_size_execute0_lowered;
	s2 =	sadd.s32 s2, s4;
	[dreg:$0x0] =	wrdreg $0x0  }
0xa8: {  	s4 =	sshll.u32 s28, $0x1;
	[dreg:$0x2] =	wrdreg s2  }
0xa9: {  	[dreg:$0x3] =	wrdreg s4  }
0xaa: {  	[dreg:$0x4] =	wrdreg $0xC0  }
0xab: {  	_ =	task [dreg:s6], $0x5FFFF  }
0xac: {  	[dreg:$0x1] =	wrdreg $0xFFFFFFFF  }
0xad: {  	[dreg:$0x0] =	wrdreg $0x60  }
0xae: {  	[dreg:$0x2] =	wrdreg s24  }
0xaf: {  	[dreg:$0x3] =	wrdreg $0xC6200  }
0xb0: {  	[dreg:$0x4] =	wrdreg $0x9  }
0xb1: {  	_ =	task.clear_ibuf [dreg:s6], $0x5FFFF;
	_ =	strace $0x90000049  }
0xb2: {  	s29 =	simm.s32 $0x9;
	_ =	strace $0x8000004B  }
0xb3: {  	_ =	swait.ge [sflag:s29], $0x1  }
0xb4: {  	[sflag:s29] =	ssyncadd.s32 $0xFFFFFFFF  }
0xb5: {  	_ =	strace $0x9000004B  }
0xb6: {  	_ =	sfence  }
0xb7: {  	s30 =	sld [smem:$0x0];
	_ =	sdelay $0x2  }
0xb8: {  	s31 =	sshll.u32 s1, $0xD;
	s1 =	sshrl.u32 s1, $0x2  }
0xb9: {  	s3 =	sand.u32 $0x4000, s31;
	s1 =	sadd.s32 s1, s30  }
0xba: {  	s0 =	sor.u32 s3, s0;
	s1 =	sshll.u32 s1, $0x11  }
0xbb: {  	s0 =	sor.u32 s1, s0  }
0xbc: {  	s0 =	sadd.s32 $0x8F2B, s0  }
0xbd: {  	[sflag:s0] =	ssyncadd.remote.s32 $0x1  }
0xbe: {  	_ =	sfence.sel $0xFFFF  }
0xbf: {  	[dreg:$0x0] =	wrdreg $0xFFFFFFFF;
	(pc) =	sbr.abs _section_cstart, $3  }
0xc0: {  	[dreg:$0x1] =	wrdreg $0xFFFFFFFF  }
0xc1: {  	_ =	task.clear_ibuf [dreg:s6], $0x2FFFF;
	_ =	strace $0x9FFFFFFF  }
0xc2: {  	(tm) =	ssettm $0x7FFFFFFF  }
0xc3: {  	_ =	shalt  }
tec
execute0_lowered:
.L_overlay_start_1:
0x0: {  	(tag) =	ssettag $0x1  }
0x1: {  	s6 =	rddreg [dreg:$0x0]  }
0x2: {  	s1 =	rddreg [dreg:$0x1];
	s2 =	srdreg.scid  }
0x3: {  	s0 =	rddreg [dreg:$0x2];
	s3 =	simm.s32 $0x0;
	s14 =	simm.s32 $0x7  }
0x4: {  	s15 =	simm.s32 $0x50;
	s16 =	simm.s32 $0x4E20;
	s17 =	simm.s32 $0x7620  }
0x5: {  	s18 =	simm.s32 $0x3;
	s19 =	simm.s32 $0x9E20;
	s20 =	simm.s32 $0x5  }
0x6: {  	s21 =	simm.s32 $0x2;
	s22 =	simm.s32 $0x4;
	s8 =	sand.u32 $0x1, s2  }
0x7: {  	s23 =	simm.s32 $0x1;
	s2 =	stileid.u32;
	s5 =	smul.u32 $0x2710, s8  }
0x8: {  	[smem:$0x7FF] =	sst s3;
	s4 =	sadd.s32 $0x3D600, s6;
	s7 =	smul.u32 $0x271, s2  }
0x9: {  	_ =	strace $0x8000004A;
	s9 =	smul.u32 $0x4E200, s2;
	s10 =	ssub.s32 $0x2, s8  }
0xa: {  	s31 =	sshll.u32 s2, $0x6;
	s8 =	smul.u32 $0x4E200, s8;
	s30 =	sshrl.u32 s10, $0x1  }
.Ltmp0:
0xb: {  	s7 =	sadd.s32 s7, s5;
	s5 =	sadd.s32 $0x20000, s6;
	(pc) =	sbr.rel .LBB2_1-.Ltmp0, $4  }
0xc: {  	s9 =	sshrl.u32 s9, $0x2;
	s12 =	ssub.s32 s10, s30;
	s7 =	sshll.u32 s7, $0x4  }
0xd: {  	s13 =	sadd.s32 s9, s1;
	s9 =	smul.u32 $0xFA, s2;
	s11 =	sadd.s32 s7, s6  }
0xe: {  	s6 =	sadd.s32 s4, s7;
	s7 =	sor.u32 $0x1C08, s31;
	s10 =	sadd.s32 $0x8B800, s11  }
0xf: {  	s11 =	smax.u32 s12, $0x1;
	s12 =	sshrl.u32 s13, $0x3;
	s13 =	simm.s32 $0x8  }
.LBB2_11:
0x10: {  	s3 =	sadd.s32 $0x1, s3  }
0x11: {  	p0 =	sne.s32 s3, s11  }
.Ltmp1:
0x12: {  	[bflag:$0x0] =	sbarrier.arrive $0xFFFF;
	(pc) =	sbr.rel @!p0 .LBB2_12-.Ltmp1, $4  }
0x13: {  	[hbm:s10], [sflag:s7] =	dma.local [spmem:s12], $0x2710  }
0x14: {  	_ =	swait.ge [sflag:s13], $0x2710  }
0x15: {  	[sflag:s13] =	ssyncset.done $0x0  }
0x16: {  	[sflag:s13] =	ssyncadd.s32 $0xFFFFD8F0  }
.LBB2_1:
0x17: {  	[spmem:s12], [sflag:s7] =	dma.local [hbm:s6], $0x2710  }
.Ltmp2:
0x18: {  	_ =	swait.ge [sflag:s13], $0x2710;
	(pc) =	sbr.rel .LBB2_2-.Ltmp2, $4  }
0x19: {  	[sflag:s13] =	ssyncset.done $0x0  }
0x1a: {  	[sflag:s13] =	ssyncadd.s32 $0xFFFFD8F0  }
0x1b: {  	[bflag:$0x0] =	sbarrier.arrive $0xFFFF  }
0x1c: {  	p1 =	por $0x1, $0x1;
	s24 =	simm.s32 $0x0  }
.LBB2_10:
.Ltmp3:
0x1d: {  	(pc) =	sbr.rel @!p0 .LBB2_11-.Ltmp3, $4  }
0x1e: {  	_ = 	snop  }
0x1f: {  	_ =	swait.ge [sflag:s20], $0x2800  }
0x20: {  	[sflag:s20] =	ssyncset.done $0x0  }
0x21: {  	s24 =	simm.s32 $0x7D;
	p1 =	por $0x0, $0x0;
	[sflag:s20] =	ssyncadd.s32 $0xFFFFD800  }
.LBB2_2:
0x22: {  	s24 =	sadd.s32 s9, s24  }
0x23: {  	s25 =	smul.u32 $0x50, s24;
	_ =	sdelay $0x1  }
0x24: {  	s24 =	sadd.s32 s8, s25  }
0x25: {  	s25 =	sshrl.u32 s25, $0x3;
	s24 =	sshrl.u32 s24, $0x3  }
0x26: {  	s25 =	sadd.s32 s5, s25;
	s26 =	sadd.s32 s5, s24;
	s24 =	simm.s32 $0x0  }
0x27: {  	[tilespmem:s24], [sflag:$0x7] =	stream.linear.gather [hbm4b:s26+s24], $0x2710, $0x38;
	[tilespmem:$0x1FEA0] =	vst v63  }
0x28: {  	s31 =	sadd.s32 $0x13880, s25;
	s25 =	simm.s32 $0x2710  }
0x29: {  	[tilespmem:s25], [sflag:$0x8] =	stream.linear.gather [hbm4b:s31+s24], $0x2710, $0x38;
	[tilespmem:$0x1FEA0] =	vst v63  }
0x2a: {  	_ =	swait.ge [sflag:s13], $0x2710  }
0x2b: {  	[sflag:s13] =	ssyncset.done $0x0  }
0x2c: {  	[sflag:s13] =	ssyncadd.s32 $0xFFFFD8F0  }
0x2d: {  	_ =	swait.ge [sflag:s14], $0x2710  }
.Ltmp4:
0x2e: {  	[sflag:s14] =	ssyncset.done $0x0;
	(pc) =	sbr.rel .LBB2_3-.Ltmp4, $4  }
0x2f: {  	[sflag:s14] =	ssyncadd.s32 $0xFFFFD8F0  }
0x30: {  	[tilespmem:s16], [sflag:$0x1] =	stream.indirect.gather [hbm4b:s4+s15], $0x80, s24, s15, $0xb8;
	[tilespmem:$0x1FEA0] =	vst v63  }
0x31: {  	p0 =	por p1, p1;
	s26 =	simm.s32 $0xA0  }
0x32: {  	[tilespmem:s17], [sflag:$0x2] =	stream.indirect.gather [hbm4b:s4+s15], $0x80, s15, s15, $0xb8;
	[tilespmem:$0x1FEA0] =	vst v63  }
.LBB2_8:
0x33: {  	_ =	swait.ge [sflag:s18], $0x2800  }
0x34: {  	[sflag:s18] =	ssyncset.done $0x0  }
0x35: {  	[sflag:s18] =	ssyncadd.s32 $0xFFFFD800  }
0x36: {  	[spmem:s1] =	stream.indirect.scatter.add.f32 [tilespmem:s19], [sflag:$0x6], $0x80, s25, s15, $0xb8;
	[tilespmem:$0x1FEA0] =	vst v63  }
0x37: {  	_ =	swait.ge [sflag:s20], $0x2800  }
0x38: {  	p1 =	sgt.u32 s24, $0x7A;
	[sflag:s20] =	ssyncset.done $0x0  }
0x39: {  	s28 =	simm.s32 @!p1 $0x50;
	s29 =	simm.s32 @!p1 $0x7620;
	[sflag:s20] =	ssyncadd.s32 $0xFFFFD800  }
0x3a: {  	[tilespmem:s29], [sflag:$0x2] =	stream.indirect.gather @!p1 [hbm4b:s4+s28], $0x80, s26, s28, $0xb8;
	[tilespmem:$0x1FEA0] =	vst v63  }
.LBB2_9:
0x3b: {  	s24 =	sadd.s32 $0x1, s24  }
0x3c: {  	p1 =	sne.s32 s24, $0x7D  }
.Ltmp5:
0x3d: {  	_ = 	snop;
	(pc) =	sbr.rel @!p1 .LBB2_10-.Ltmp5, $2  }
0x3e: {  	_ =	sdelay $0x2  }
0x3f: {  	s26 =	sadd.s32 $0x50, s26;
	s25 =	sadd.s32 $0x50, s25  }
.LBB2_3:
0x40: {  	s28 =	smul.u32 $0xAB, s24;
	_ =	sdelay $0x1  }
0x41: {  	s28 =	sshrl.u32 s28, $0x9  }
0x42: {  	s28 =	sand.u32 $0x7F, s28  }
0x43: {  	s28 =	smul.u32 $0x3, s28;
	_ =	sdelay $0x1  }
0x44: {  	s28 =	ssub.s32 s24, s28  }
0x45: {  	s28 =	sand.u32 $0xFF, s28  }
0x46: {  	p1 =	seq.s32 s28, $0x2  }
.Ltmp6:
0x47: {  	_ = 	snop;
	(pc) =	sbr.rel @p1 .LBB2_8-.Ltmp6, $1  }
0x48: {  	_ =	sdelay $0x3  }
0x49: {  	p1 =	seq.s32 s28, $0x1  }
.Ltmp7:
0x4a: {  	_ = 	snop;
	(pc) =	sbr.rel @!p1 .LBB2_5-.Ltmp7, $1  }
0x4b: {  	_ =	sdelay $0x3  }
0x4c: {  	_ =	swait.ge [sflag:s21], $0x2800  }
0x4d: {  	[sflag:s21] =	ssyncset.done $0x0  }
0x4e: {  	[sflag:s21] =	ssyncadd.s32 $0xFFFFD800  }
0x4f: {  	[spmem:s1] =	stream.indirect.scatter.add.f32 [tilespmem:s17], [sflag:$0x5], $0x80, s25, s15, $0xb8;
	[tilespmem:$0x1FEA0] =	vst v63  }
.Ltmp8:
0x50: {  	_ = 	snop;
	(pc) =	sbr.rel .LBB2_9-.Ltmp8, $4  }
0x51: {  	_ =	swait.ge [sflag:s22], $0x2800  }
0x52: {  	p1 =	sgt.u32 s24, $0x7A;
	[sflag:s22] =	ssyncset.done $0x0  }
0x53: {  	s28 =	simm.s32 @!p1 $0x50;
	s29 =	simm.s32 @!p1 $0x4E20;
	[sflag:s22] =	ssyncadd.s32 $0xFFFFD800  }
0x54: {  	[tilespmem:s29], [sflag:$0x1] =	stream.indirect.gather @!p1 [hbm4b:s4+s28], $0x80, s26, s28, $0xb8;
	[tilespmem:$0x1FEA0] =	vst v63  }
.LBB2_5:
0x55: {  	p1 =	seq.s32 s24, $0x0  }
0x56: {  	_ =	swait.ge [sflag:s23], $0x2800;
	p2 =	sgt.u32 @!p1 s24, $0x7A  }
0x57: {  	[sflag:s23] =	ssyncset.done $0x0;
	p2 =	por p1, !p2  }
.Ltmp9:
0x58: {  	s28 =	simm.s32 @!p1 $0x6;
	[sflag:s23] =	ssyncadd.s32 $0xFFFFD800;
	(pc) =	sbr.rel @!p2 .LBB2_9-.Ltmp9, $4  }
0x59: {  	[spmem:s1] =	stream.indirect.scatter.add.f32 [tilespmem:s16], [sflag:$0x4], $0x80, s25, s15, $0xb8;
	[tilespmem:$0x1FEA0] =	vst v63  }
0x5a: {  	_ =	swait.ge @!p1 [sflag:s28], $0x2800  }
0x5b: {  	[sflag:s28] =	ssyncset.done @!p1 $0x0  }
0x5c: {  	[sflag:s28] =	ssyncadd.s32 @!p1 $0xFFFFD800  }
.Ltmp10:
0x5d: {  	(pc) =	sbr.rel .LBB2_9-.Ltmp10, $2  }
0x5e: {  	_ =	sdelay $0x2  }
0x5f: {  	[tilespmem:s19], [sflag:$0x3] =	stream.indirect.gather [hbm4b:s4+s15], $0x80, s26, s15, $0xb8;
	[tilespmem:$0x1FEA0] =	vst v63  }
.LBB2_12:
0x60: {  	_ =	sfence.sel $0x180000  }
0x61: {  	[bflag:$0x0] =	sbarrier.arrive $0xFFFF  }
0x62: {  	p0 =	sne.s32 s2, $0x0;
	_ =	strace $0x9000004A  }
0x63: {  	s0 =	sadd.s32 @!p0 $0x100000, s0;
	[bflag:$0x2] =	sbarrier.arrive $0xFFFF  }
0x64: {  	[sflag:s0] =	ssyncadd.tile.s32 @!p0 $0x1;
	_ =	shalt  }
.Lfunc_end2:
_tile_overlayer_lowered:
.L_overlay_start_2:
0x65: {  	(tag) =	ssettag $0x2  }
0x66: {  	s0 =	rddreg [dreg:$0x0];
	s2 =	stileid.u32  }
0x67: {  	s1 =	rddreg [dreg:$0x1];
	p0 =	sne.s32 s2, $0x0  }
0x68: {  	s3 =	rddreg [dreg:$0x2];
	[bflag:$0x3] =	sbarrier.arrive $0xFFFF;
	s2 =	simm.s32 @!p0 $0x1C08  }
0x69: {  	[timem:s3], [sflag:s2] =	dma.local @!p0 [hbm:s0], s1  }
0x6a: {  	s0 =	simm.s32 @!p0 $0x8  }
0x6b: {  	_ =	swait.ge @!p0 [sflag:s0], s1  }
0x6c: {  	s1 =	ssub.s32 @!p0 $0x0, s1;
	[sflag:s0] =	ssyncset.done @!p0 $0x0  }
0x6d: {  	[sflag:s0] =	ssyncadd.s32 @!p0 s1  }
0x6e: {  	[bflag:$0x3] =	sbarrier.arrive $0xFFFF  }
0x6f: {  	_ =	shalt  }

// kernel: kernel.14.cloned.1.call-start
scs
__scs_entry_jumppad:
0x0: {  	(pc) =	sbr.rel $0x88, $3  }
0x1: {  	(tag) =	ssettag $0x0;
	lr =	simm.s32 $0x1  }
0x2: {  	[smem:$0x3F99] =	sst lr;
	_ =	strace $0xD0000000  }
0x3: {  	_ = 	snop  }
0x4: {  	_ = 	snop  }
0x5: {  	_ = 	snop  }
0x6: {  	_ = 	snop  }
0x7: {  	_ = 	snop  }
__scs_overlays_trampoline_lowered:
0x8: {  	[smem:$0x3FA8] =	sst s0  }
0x9: {  	[smem:$0x3FA9] =	sst s1  }
0xa: {  	[smem:$0x3FAA] =	sst s2  }
0xb: {  	[smem:$0x3FAB] =	sst s3  }
0xc: {  	[smem:$0x3FAC] =	sst s4  }
0xd: {  	[smem:$0x3FAD] =	sst s5  }
0xe: {  	[smem:$0x3FAE] =	sst s6  }
0xf: {  	[smem:$0x3FAF] =	sst s7  }
0x10: {  	[smem:$0x3FB0] =	sst s8  }
0x11: {  	[smem:$0x3FB1] =	sst s9;
	s0 =	simm.s32 @!p0 $0x0  }
0x12: {  	s1 =	sld [smem:$0x3F97];
	s0 =	simm.s32 @p0 $0x1  }
0x13: {  	[smem:$0x3FB2] =	sst s0;
	s0 =	simm.s32 @!p1 $0x0  }
0x14: {  	s2 =	sld [smem:$0x3F96];
	s0 =	simm.s32 @p1 $0x1  }
0x15: {  	[smem:$0x3FB3] =	sst s0;
	s0 =	simm.s32 @!p2 $0x0  }
0x16: {  	s3 =	sld [smem:$0x3FDB];
	s0 =	simm.s32 @p2 $0x1  }
0x17: {  	s4 =	simm.s32 $0x1BF5;
	[smem:$0x3FB5] =	sst s0  }
0x18: {  	s0 =	sld [smem:$0x3F98];
	_ =	swait.ge [sflag:s4], $0x0  }
0x19: {  	s7 =	sld [smem:$0x3F99]  }
0x1a: {  	s8 =	sadd.s32 $0xFFFFE003, lr  }
0x1b: {  	s9 =	sadd.s32 $0xFFFFFEF7, lr;
	s5 =	simm.s32 $0xFFFFFFFF;
	p2 =	slt.u32 s8, $0xFFFFF086  }
0x1c: {  	p1 =	slt.u32 s9, $0xF7A;
	s5 =	simm.s32 @!p2 $0x0  }
0x1d: {  	s5 =	simm.s32 @p1 $0x1;
	p0 =	seq.s32 s7, s2  }
0x1e: {  	s7 =	smul.u32 @!p0 $0xF7A, s2;
	p2 =	seq.s32 @!p0 s5, $0x0  }
0x1f: {  	s9 =	smul.u32 $0xF7A, s1;
	s8 =	simm.s32 @!p0 $0x1BF5;
	p2 =	por !p2, p0  }
0x20: {  	[sflag:s8] =	ssyncset.s32 @!p0 $0xFFFFF086;
	s6 =	sadd.s32 @!p0 s3, s7;
	s7 =	simm.s32 @!p0 $0x108  }
0x21: {  	s3 =	sadd.s32 s3, s9;
	s6 =	sadd.s32 @!p0 $0x88, s6;
	s7 =	simm.s32 @p2 $0x1082  }
0x22: {  	[simem:s7], [sflag:s8] =	dma.local @!p0 [hbm:s6], $0xF7A  }
0x23: {  	s9 =	sor.u32 $0xD0000000, s2;
	s6 =	simm.s32 $0x108;
	_ =	swait.ge @!p0 [sflag:s8], $0x0  }
0x24: {  	s3 =	sadd.s32 $0x88, s3;
	s6 =	simm.s32 @!p1 $0x1082;
	[sflag:s4] =	ssyncset.s32 $0xFFFFF086  }
0x25: {  	[simem:s6], [sflag:s4] =	dma.local [hbm:s3], $0xF7A  }
0x26: {  	[smem:$0x3F99] =	sst s1;
	(tag) =	ssettag s2;
	_ =	strace s9  }
0x27: {  	s1 =	sld [smem:$0x3FA9]  }
0x28: {  	s2 =	sld [smem:$0x3FAA]  }
0x29: {  	s4 =	sld [smem:$0x3FAC]  }
0x2a: {  	p0 =	seq.s32 s5, $0x0;
	s5 =	sld [smem:$0x3FAD]  }
0x2b: {  	s6 =	sld [smem:$0x3FAE]  }
0x2c: {  	s7 =	sld [smem:$0x3FAF]  }
0x2d: {  	s3 =	simm.s32 $0x108;
	s8 =	sld [smem:$0x3FB0]  }
0x2e: {  	s3 =	simm.s32 @!p0 $0x1082;
	s9 =	sld [smem:$0x3FB1]  }
0x2f: {  	lr =	sadd.s32 s0, s3;
	s0 =	sld [smem:$0x3FA8]  }
0x30: {  	s3 =	sld [smem:$0x3FAB]  }
0x31: {  	[smem:$0x3FB4] =	sst s10  }
0x32: {  	s10 =	sld [smem:$0x3FB2];
	_ =	sdelay $0x3  }
0x33: {  	p0 =	seq.s32 s10, $0x1;
	s10 =	sld [smem:$0x3FB4];
	_ =	sdelay $0x3  }
0x34: {  	[smem:$0x3FB4] =	sst s10  }
0x35: {  	s10 =	sld [smem:$0x3FB3];
	_ =	sdelay $0x3  }
0x36: {  	p1 =	seq.s32 s10, $0x1;
	s10 =	sld [smem:$0x3FB4];
	_ =	sdelay $0x3  }
0x37: {  	[smem:$0x3FB4] =	sst s10  }
0x38: {  	s10 =	sld [smem:$0x3FB5]  }
0x39: {  	_ = 	snop;
	(pc) =	sbr.ind lr, $3  }
0x3a: {  	_ = 	snop  }
0x3b: {  	_ = 	snop  }
0x3c: {  	p2 =	seq.s32 s10, $0x1;
	s10 =	sld [smem:$0x3FB4]  }
0x3d: {  	_ =	shalt  }
0x3e: {  	_ =	shalt  }
0x3f: {  	_ =	shalt  }
0x40: {  	_ =	shalt  }
0x41: {  	_ =	shalt  }
0x42: {  	_ =	shalt  }
0x43: {  	_ =	shalt  }
0x44: {  	_ =	shalt  }
0x45: {  	_ =	shalt  }
0x46: {  	_ =	shalt  }
0x47: {  	_ =	shalt  }
0x48: {  	_ =	shalt  }
0x49: {  	_ =	shalt  }
0x4a: {  	_ =	shalt  }
0x4b: {  	_ =	shalt  }
0x4c: {  	_ =	shalt  }
0x4d: {  	_ =	shalt  }
0x4e: {  	_ =	shalt  }
0x4f: {  	_ =	shalt  }
0x50: {  	_ =	shalt  }
0x51: {  	_ =	shalt  }
0x52: {  	_ =	shalt  }
0x53: {  	_ =	shalt  }
0x54: {  	_ =	shalt  }
0x55: {  	_ =	shalt  }
0x56: {  	_ =	shalt  }
0x57: {  	_ =	shalt  }
0x58: {  	_ =	shalt  }
0x59: {  	_ =	shalt  }
0x5a: {  	_ =	shalt  }
0x5b: {  	_ =	shalt  }
0x5c: {  	_ =	shalt  }
0x5d: {  	_ =	shalt  }
0x5e: {  	_ =	shalt  }
0x5f: {  	_ =	shalt  }
0x60: {  	_ =	shalt  }
0x61: {  	_ =	shalt  }
0x62: {  	_ =	shalt  }
0x63: {  	_ =	shalt  }
0x64: {  	_ =	shalt  }
0x65: {  	_ =	shalt  }
0x66: {  	_ =	shalt  }
0x67: {  	_ =	shalt  }
0x68: {  	_ =	shalt  }
0x69: {  	_ =	shalt  }
0x6a: {  	_ =	shalt  }
0x6b: {  	_ =	shalt  }
0x6c: {  	_ =	shalt  }
0x6d: {  	_ =	shalt  }
0x6e: {  	_ =	shalt  }
0x6f: {  	_ =	shalt  }
0x70: {  	_ =	shalt  }
0x71: {  	_ =	shalt  }
0x72: {  	_ =	shalt  }
0x73: {  	_ =	shalt  }
0x74: {  	_ =	shalt  }
0x75: {  	_ =	shalt  }
0x76: {  	_ =	shalt  }
0x77: {  	_ =	shalt  }
0x78: {  	_ =	shalt  }
0x79: {  	_ =	shalt  }
0x7a: {  	_ =	shalt  }
0x7b: {  	_ =	shalt  }
0x7c: {  	_ =	shalt  }
0x7d: {  	_ =	shalt  }
0x7e: {  	_ =	shalt  }
0x7f: {  	_ =	shalt  }
0x80: {  	_ =	shalt  }
0x81: {  	_ =	shalt  }
0x82: {  	_ =	shalt  }
0x83: {  	_ =	shalt  }
0x84: {  	_ =	shalt  }
0x85: {  	_ =	shalt  }
0x86: {  	_ =	shalt  }
0x87: {  	_ =	shalt  }
.Lfunc_end0:
.L_simem_size_0:
called_computation.2_lowered:
.L_overlay_start_0:
0x88: {  	s2 =	sld [smem:$0x3FD9]  }
0x89: {  	s3 =	sld [smem:$0x3FFE];
	_ =	sdelay $0x1  }
0x8a: {  	s1 =	srdreg.scid  }
0x8b: {  	s0 =	sand.u32 $0x1, s1  }
0x8c: {  	s16 =	sshll.u32 s0, $0xA;
	s2 =	sadd.s32 s3, s2  }
0x8d: {  	s2 =	sadd.s32 s2, s16  }
0x8e: {  	[smem:$0x3FC0] =	sst s2  }
0x8f: {  	_ = 	snop  }
0x90: {  	(tm) =	ssettm $0x1  }
0x91: {  	s17 =	sld [smem:$0x3FFB];
	_ =	sdelay $0x3  }
0x92: {  	_ =	strace s17  }
0x93: {  	s2 =	sld [smem:$0x3FFC];
	_ =	sdelay $0x3  }
0x94: {  	_ =	strace s2  }
0x95: {  	s2 =	sld [smem:$0x3FFD];
	_ =	sdelay $0x3  }
0x96: {  	_ =	strace s2  }
0x97: {  	_ =	strace $0x8FFFFFFF  }
0x98: {  	s18 =	sld [smem:$0x3FDB];
	_ =	sdelay $0x1  }
0x99: {  	s19 =	simm.s32 $_scs_section_size  }
0x9a: {  	s4 =	simm.s32 $_size__tile_overlayer_lowered;
	s5 =	simm.s32 $_tile_overlayer_lowered  }
0x9b: {  	s22 =	simm.s32 $0x1BFF;
	s21 =	sshll.u32 s5, $0x1;
	s2 =	sadd.s32 s19, s18  }
0x9c: {  	s6 =	simm.s32 $0x0;
	s20 =	sshll.u32 s4, $0x1;
	s4 =	sadd.s32 s21, s2  }
0x9d: {  	[timem:s6], [sflag:s22] =	dma.local [hbm:s4], s20  }
0x9e: {  	_ =	swait.ge [sflag:s22], s20  }
0x9f: {  	s3 =	ssub.s32 $0x0, s20;
	[sflag:s22] =	ssyncset.done $0x0  }
0xa0: {  	[sflag:s22] =	ssyncadd.s32 s3;
	_ =	sdelay $0x1  }
0xa1: {  	s23 =	simm.s32 $0x1B8B  }
0xa2: {  	_ =	swait.ge [sflag:s23], $0x1  }
0xa3: {  	[sflag:s23] =	ssyncset.done $0x0  }
0xa4: {  	s25 =	simm.s32 $0x1B8E;
	s24 =	sld [smem:$0x3FFE];
	[sflag:s23] =	ssyncadd.s32 $0xFFFFFFFF  }
0xa5: {  	s26 =	simm.s32 $execute0_lowered;
	[smem:$0x3FD2] =	sst s25  }
0xa6: {  	s4 =	sshll.u32 s26, $0x1;
	_ =	strace $0x8000004C;
	[dreg:$0x1] =	wrdreg $0xFFFFFFFF  }
0xa7: {  	s28 =	simm.s32 $_size_execute0_lowered;
	s2 =	sadd.s32 s2, s4;
	[dreg:$0x0] =	wrdreg $0x0  }
0xa8: {  	s4 =	sshll.u32 s28, $0x1;
	[dreg:$0x2] =	wrdreg s2  }
0xa9: {  	[dreg:$0x3] =	wrdreg s4  }
0xaa: {  	[dreg:$0x4] =	wrdreg $0xC0  }
0xab: {  	_ =	task [dreg:s6], $0x5FFFF  }
0xac: {  	[dreg:$0x1] =	wrdreg $0xFFFFFFFF  }
0xad: {  	[dreg:$0x0] =	wrdreg $0x60  }
0xae: {  	[dreg:$0x2] =	wrdreg s24  }
0xaf: {  	[dreg:$0x3] =	wrdreg $0xC6200  }
0xb0: {  	[dreg:$0x4] =	wrdreg $0x9  }
0xb1: {  	_ =	task.clear_ibuf [dreg:s6], $0x5FFFF;
	_ =	strace $0x9000004C  }
0xb2: {  	s29 =	simm.s32 $0x9;
	_ =	strace $0x8000004E  }
0xb3: {  	_ =	swait.ge [sflag:s29], $0x1  }
0xb4: {  	[sflag:s29] =	ssyncadd.s32 $0xFFFFFFFF  }
0xb5: {  	_ =	strace $0x9000004E  }
0xb6: {  	_ =	sfence  }
0xb7: {  	s30 =	sld [smem:$0x0];
	_ =	sdelay $0x2  }
0xb8: {  	s31 =	sshll.u32 s1, $0xD;
	s1 =	sshrl.u32 s1, $0x2  }
0xb9: {  	s3 =	sand.u32 $0x4000, s31;
	s1 =	sadd.s32 s1, s30  }
0xba: {  	s0 =	sor.u32 s3, s0;
	s1 =	sshll.u32 s1, $0x11  }
0xbb: {  	s0 =	sor.u32 s1, s0  }
0xbc: {  	s0 =	sadd.s32 $0x8F2B, s0  }
0xbd: {  	[sflag:s0] =	ssyncadd.remote.s32 $0x1  }
0xbe: {  	_ =	sfence.sel $0xFFFF  }
0xbf: {  	[dreg:$0x0] =	wrdreg $0xFFFFFFFF;
	(pc) =	sbr.abs _section_cstart, $3  }
0xc0: {  	[dreg:$0x1] =	wrdreg $0xFFFFFFFF  }
0xc1: {  	_ =	task.clear_ibuf [dreg:s6], $0x2FFFF;
	_ =	strace $0x9FFFFFFF  }
0xc2: {  	(tm) =	ssettm $0x7FFFFFFF  }
0xc3: {  	_ =	shalt  }
tec
execute0_lowered:
.L_overlay_start_1:
0x0: {  	(tag) =	ssettag $0x1  }
0x1: {  	s6 =	rddreg [dreg:$0x0]  }
0x2: {  	s1 =	rddreg [dreg:$0x1];
	s2 =	srdreg.scid  }
0x3: {  	s0 =	rddreg [dreg:$0x2];
	s3 =	simm.s32 $0x0;
	s14 =	simm.s32 $0x7  }
0x4: {  	s15 =	simm.s32 $0x50;
	s16 =	simm.s32 $0x4E20;
	s17 =	simm.s32 $0x7620  }
0x5: {  	s18 =	simm.s32 $0x3;
	s19 =	simm.s32 $0x9E20;
	s20 =	simm.s32 $0x5  }
0x6: {  	s21 =	simm.s32 $0x2;
	s22 =	simm.s32 $0x4;
	s8 =	sand.u32 $0x1, s2  }
0x7: {  	s23 =	simm.s32 $0x1;
	s2 =	stileid.u32;
	s5 =	smul.u32 $0x2710, s8  }
0x8: {  	[smem:$0x7FF] =	sst s3;
	s4 =	sadd.s32 $0x3D600, s6;
	s7 =	smul.u32 $0x271, s2  }
0x9: {  	_ =	strace $0x8000004D;
	s9 =	smul.u32 $0x4E200, s2;
	s10 =	ssub.s32 $0x2, s8  }
0xa: {  	s31 =	sshll.u32 s2, $0x6;
	s8 =	smul.u32 $0x4E200, s8;
	s30 =	sshrl.u32 s10, $0x1  }
.Ltmp0:
0xb: {  	s7 =	sadd.s32 s7, s5;
	s5 =	sadd.s32 $0x20000, s6;
	(pc) =	sbr.rel .LBB2_1-.Ltmp0, $4  }
0xc: {  	s9 =	sshrl.u32 s9, $0x2;
	s12 =	ssub.s32 s10, s30;
	s7 =	sshll.u32 s7, $0x4  }
0xd: {  	s13 =	sadd.s32 s9, s1;
	s9 =	smul.u32 $0xFA, s2;
	s11 =	sadd.s32 s7, s6  }
0xe: {  	s6 =	sadd.s32 s4, s7;
	s7 =	sor.u32 $0x1C08, s31;
	s10 =	sadd.s32 $0x8B800, s11  }
0xf: {  	s11 =	smax.u32 s12, $0x1;
	s12 =	sshrl.u32 s13, $0x3;
	s13 =	simm.s32 $0x8  }
.LBB2_11:
0x10: {  	s3 =	sadd.s32 $0x1, s3  }
0x11: {  	p0 =	sne.s32 s3, s11  }
.Ltmp1:
0x12: {  	[bflag:$0x0] =	sbarrier.arrive $0xFFFF;
	(pc) =	sbr.rel @!p0 .LBB2_12-.Ltmp1, $4  }
0x13: {  	[hbm:s10], [sflag:s7] =	dma.local [spmem:s12], $0x2710  }
0x14: {  	_ =	swait.ge [sflag:s13], $0x2710  }
0x15: {  	[sflag:s13] =	ssyncset.done $0x0  }
0x16: {  	[sflag:s13] =	ssyncadd.s32 $0xFFFFD8F0  }
.LBB2_1:
0x17: {  	[spmem:s12], [sflag:s7] =	dma.local [hbm:s6], $0x2710  }
.Ltmp2:
0x18: {  	_ =	swait.ge [sflag:s13], $0x2710;
	(pc) =	sbr.rel .LBB2_2-.Ltmp2, $4  }
0x19: {  	[sflag:s13] =	ssyncset.done $0x0  }
0x1a: {  	[sflag:s13] =	ssyncadd.s32 $0xFFFFD8F0  }
0x1b: {  	[bflag:$0x0] =	sbarrier.arrive $0xFFFF  }
0x1c: {  	p1 =	por $0x1, $0x1;
	s24 =	simm.s32 $0x0  }
.LBB2_10:
.Ltmp3:
0x1d: {  	(pc) =	sbr.rel @!p0 .LBB2_11-.Ltmp3, $4  }
0x1e: {  	_ = 	snop  }
0x1f: {  	_ =	swait.ge [sflag:s20], $0x2800  }
0x20: {  	[sflag:s20] =	ssyncset.done $0x0  }
0x21: {  	s24 =	simm.s32 $0x7D;
	p1 =	por $0x0, $0x0;
	[sflag:s20] =	ssyncadd.s32 $0xFFFFD800  }
.LBB2_2:
0x22: {  	s24 =	sadd.s32 s9, s24  }
0x23: {  	s25 =	smul.u32 $0x50, s24;
	_ =	sdelay $0x1  }
0x24: {  	s24 =	sadd.s32 s8, s25  }
0x25: {  	s25 =	sshrl.u32 s25, $0x3;
	s24 =	sshrl.u32 s24, $0x3  }
0x26: {  	s25 =	sadd.s32 s5, s25;
	s26 =	sadd.s32 s5, s24;
	s24 =	simm.s32 $0x0  }
0x27: {  	[tilespmem:s24], [sflag:$0x7] =	stream.linear.gather [hbm4b:s26+s24], $0x2710, $0x38;
	[tilespmem:$0x1FEA0] =	vst v63  }
0x28: {  	s31 =	sadd.s32 $0x13880, s25;
	s25 =	simm.s32 $0x2710  }
0x29: {  	[tilespmem:s25], [sflag:$0x8] =	stream.linear.gather [hbm4b:s31+s24], $0x2710, $0x38;
	[tilespmem:$0x1FEA0] =	vst v63  }
0x2a: {  	_ =	swait.ge [sflag:s13], $0x2710  }
0x2b: {  	[sflag:s13] =	ssyncset.done $0x0  }
0x2c: {  	[sflag:s13] =	ssyncadd.s32 $0xFFFFD8F0  }
0x2d: {  	_ =	swait.ge [sflag:s14], $0x2710  }
.Ltmp4:
0x2e: {  	[sflag:s14] =	ssyncset.done $0x0;
	(pc) =	sbr.rel .LBB2_3-.Ltmp4, $4  }
0x2f: {  	[sflag:s14] =	ssyncadd.s32 $0xFFFFD8F0  }
0x30: {  	[tilespmem:s16], [sflag:$0x1] =	stream.indirect.gather [hbm4b:s4+s15], $0x80, s24, s15, $0xb8;
	[tilespmem:$0x1FEA0] =	vst v63  }
0x31: {  	p0 =	por p1, p1;
	s26 =	simm.s32 $0xA0  }
0x32: {  	[tilespmem:s17], [sflag:$0x2] =	stream.indirect.gather [hbm4b:s4+s15], $0x80, s15, s15, $0xb8;
	[tilespmem:$0x1FEA0] =	vst v63  }
.LBB2_8:
0x33: {  	_ =	swait.ge [sflag:s18], $0x2800  }
0x34: {  	[sflag:s18] =	ssyncset.done $0x0  }
0x35: {  	[sflag:s18] =	ssyncadd.s32 $0xFFFFD800  }
0x36: {  	[spmem:s1] =	stream.indirect.scatter.add.f32 [tilespmem:s19], [sflag:$0x6], $0x80, s25, s15, $0xb8;
	[tilespmem:$0x1FEA0] =	vst v63  }
0x37: {  	_ =	swait.ge [sflag:s20], $0x2800  }
0x38: {  	p1 =	sgt.u32 s24, $0x7A;
	[sflag:s20] =	ssyncset.done $0x0  }
0x39: {  	s28 =	simm.s32 @!p1 $0x50;
	s29 =	simm.s32 @!p1 $0x7620;
	[sflag:s20] =	ssyncadd.s32 $0xFFFFD800  }
0x3a: {  	[tilespmem:s29], [sflag:$0x2] =	stream.indirect.gather @!p1 [hbm4b:s4+s28], $0x80, s26, s28, $0xb8;
	[tilespmem:$0x1FEA0] =	vst v63  }
.LBB2_9:
0x3b: {  	s24 =	sadd.s32 $0x1, s24  }
0x3c: {  	p1 =	sne.s32 s24, $0x7D  }
.Ltmp5:
0x3d: {  	_ = 	snop;
	(pc) =	sbr.rel @!p1 .LBB2_10-.Ltmp5, $2  }
0x3e: {  	_ =	sdelay $0x2  }
0x3f: {  	s26 =	sadd.s32 $0x50, s26;
	s25 =	sadd.s32 $0x50, s25  }
.LBB2_3:
0x40: {  	s28 =	smul.u32 $0xAB, s24;
	_ =	sdelay $0x1  }
0x41: {  	s28 =	sshrl.u32 s28, $0x9  }
0x42: {  	s28 =	sand.u32 $0x7F, s28  }
0x43: {  	s28 =	smul.u32 $0x3, s28;
	_ =	sdelay $0x1  }
0x44: {  	s28 =	ssub.s32 s24, s28  }
0x45: {  	s28 =	sand.u32 $0xFF, s28  }
0x46: {  	p1 =	seq.s32 s28, $0x2  }
.Ltmp6:
0x47: {  	_ = 	snop;
	(pc) =	sbr.rel @p1 .LBB2_8-.Ltmp6, $1  }
0x48: {  	_ =	sdelay $0x3  }
0x49: {  	p1 =	seq.s32 s28, $0x1  }
.Ltmp7:
0x4a: {  	_ = 	snop;
	(pc) =	sbr.rel @!p1 .LBB2_5-.Ltmp7, $1  }
0x4b: {  	_ =	sdelay $0x3  }
0x4c: {  	_ =	swait.ge [sflag:s21], $0x2800  }
0x4d: {  	[sflag:s21] =	ssyncset.done $0x0  }
0x4e: {  	[sflag:s21] =	ssyncadd.s32 $0xFFFFD800  }
0x4f: {  	[spmem:s1] =	stream.indirect.scatter.add.f32 [tilespmem:s17], [sflag:$0x5], $0x80, s25, s15, $0xb8;
	[tilespmem:$0x1FEA0] =	vst v63  }
.Ltmp8:
0x50: {  	_ = 	snop;
	(pc) =	sbr.rel .LBB2_9-.Ltmp8, $4  }
0x51: {  	_ =	swait.ge [sflag:s22], $0x2800  }
0x52: {  	p1 =	sgt.u32 s24, $0x7A;
	[sflag:s22] =	ssyncset.done $0x0  }
0x53: {  	s28 =	simm.s32 @!p1 $0x50;
	s29 =	simm.s32 @!p1 $0x4E20;
	[sflag:s22] =	ssyncadd.s32 $0xFFFFD800  }
0x54: {  	[tilespmem:s29], [sflag:$0x1] =	stream.indirect.gather @!p1 [hbm4b:s4+s28], $0x80, s26, s28, $0xb8;
	[tilespmem:$0x1FEA0] =	vst v63  }
.LBB2_5:
0x55: {  	p1 =	seq.s32 s24, $0x0  }
0x56: {  	_ =	swait.ge [sflag:s23], $0x2800;
	p2 =	sgt.u32 @!p1 s24, $0x7A  }
0x57: {  	[sflag:s23] =	ssyncset.done $0x0;
	p2 =	por p1, !p2  }
.Ltmp9:
0x58: {  	s28 =	simm.s32 @!p1 $0x6;
	[sflag:s23] =	ssyncadd.s32 $0xFFFFD800;
	(pc) =	sbr.rel @!p2 .LBB2_9-.Ltmp9, $4  }
0x59: {  	[spmem:s1] =	stream.indirect.scatter.add.f32 [tilespmem:s16], [sflag:$0x4], $0x80, s25, s15, $0xb8;
	[tilespmem:$0x1FEA0] =	vst v63  }
0x5a: {  	_ =	swait.ge @!p1 [sflag:s28], $0x2800  }
0x5b: {  	[sflag:s28] =	ssyncset.done @!p1 $0x0  }
0x5c: {  	[sflag:s28] =	ssyncadd.s32 @!p1 $0xFFFFD800  }
.Ltmp10:
0x5d: {  	(pc) =	sbr.rel .LBB2_9-.Ltmp10, $2  }
0x5e: {  	_ =	sdelay $0x2  }
0x5f: {  	[tilespmem:s19], [sflag:$0x3] =	stream.indirect.gather [hbm4b:s4+s15], $0x80, s26, s15, $0xb8;
	[tilespmem:$0x1FEA0] =	vst v63  }
.LBB2_12:
0x60: {  	_ =	sfence.sel $0x180000  }
0x61: {  	[bflag:$0x0] =	sbarrier.arrive $0xFFFF  }
0x62: {  	p0 =	sne.s32 s2, $0x0;
	_ =	strace $0x9000004D  }
0x63: {  	s0 =	sadd.s32 @!p0 $0x100000, s0;
	[bflag:$0x2] =	sbarrier.arrive $0xFFFF  }
0x64: {  	[sflag:s0] =	ssyncadd.tile.s32 @!p0 $0x1;
	_ =	shalt  }
.Lfunc_end2:
_tile_overlayer_lowered:
.L_overlay_start_2:
0x65: {  	(tag) =	ssettag $0x2  }
0x66: {  	s0 =	rddreg [dreg:$0x0];
	s2 =	stileid.u32  }
0x67: {  	s1 =	rddreg [dreg:$0x1];
	p0 =	sne.s32 s2, $0x0  }
0x68: {  	s3 =	rddreg [dreg:$0x2];
	[bflag:$0x3] =	sbarrier.arrive $0xFFFF;
	s2 =	simm.s32 @!p0 $0x1C08  }
0x69: {  	[timem:s3], [sflag:s2] =	dma.local @!p0 [hbm:s0], s1  }
0x6a: {  	s0 =	simm.s32 @!p0 $0x8  }
0x6b: {  	_ =	swait.ge @!p0 [sflag:s0], s1  }
0x6c: {  	s1 =	ssub.s32 @!p0 $0x0, s1;
	[sflag:s0] =	ssyncset.done @!p0 $0x0  }
0x6d: {  	[sflag:s0] =	ssyncadd.s32 @!p0 s1  }
0x6e: {  	[bflag:$0x3] =	sbarrier.arrive $0xFFFF  }
0x6f: {  	_ =	shalt  }

// kernel: kernel.8.cloned.1.call-start
scs
__scs_entry_jumppad:
0x0: {  	(pc) =	sbr.rel $0x88, $3  }
0x1: {  	(tag) =	ssettag $0x0;
	lr =	simm.s32 $0x1  }
0x2: {  	[smem:$0x3F99] =	sst lr;
	_ =	strace $0xD0000000  }
0x3: {  	_ = 	snop  }
0x4: {  	_ = 	snop  }
0x5: {  	_ = 	snop  }
0x6: {  	_ = 	snop  }
0x7: {  	_ = 	snop  }
__scs_overlays_trampoline_lowered:
0x8: {  	[smem:$0x3FA8] =	sst s0  }
0x9: {  	[smem:$0x3FA9] =	sst s1  }
0xa: {  	[smem:$0x3FAA] =	sst s2  }
0xb: {  	[smem:$0x3FAB] =	sst s3  }
0xc: {  	[smem:$0x3FAC] =	sst s4  }
0xd: {  	[smem:$0x3FAD] =	sst s5  }
0xe: {  	[smem:$0x3FAE] =	sst s6  }
0xf: {  	[smem:$0x3FAF] =	sst s7  }
0x10: {  	[smem:$0x3FB0] =	sst s8  }
0x11: {  	[smem:$0x3FB1] =	sst s9;
	s0 =	simm.s32 @!p0 $0x0  }
0x12: {  	s1 =	sld [smem:$0x3F97];
	s0 =	simm.s32 @p0 $0x1  }
0x13: {  	[smem:$0x3FB2] =	sst s0;
	s0 =	simm.s32 @!p1 $0x0  }
0x14: {  	s2 =	sld [smem:$0x3F96];
	s0 =	simm.s32 @p1 $0x1  }
0x15: {  	[smem:$0x3FB3] =	sst s0;
	s0 =	simm.s32 @!p2 $0x0  }
0x16: {  	s3 =	sld [smem:$0x3FDB];
	s0 =	simm.s32 @p2 $0x1  }
0x17: {  	s4 =	simm.s32 $0x1BF5;
	[smem:$0x3FB5] =	sst s0  }
0x18: {  	s0 =	sld [smem:$0x3F98];
	_ =	swait.ge [sflag:s4], $0x0  }
0x19: {  	s7 =	sld [smem:$0x3F99]  }
0x1a: {  	s8 =	sadd.s32 $0xFFFFE003, lr  }
0x1b: {  	s9 =	sadd.s32 $0xFFFFFEF7, lr;
	s5 =	simm.s32 $0xFFFFFFFF;
	p2 =	slt.u32 s8, $0xFFFFF086  }
0x1c: {  	p1 =	slt.u32 s9, $0xF7A;
	s5 =	simm.s32 @!p2 $0x0  }
0x1d: {  	s5 =	simm.s32 @p1 $0x1;
	p0 =	seq.s32 s7, s2  }
0x1e: {  	s7 =	smul.u32 @!p0 $0xF7A, s2;
	p2 =	seq.s32 @!p0 s5, $0x0  }
0x1f: {  	s9 =	smul.u32 $0xF7A, s1;
	s8 =	simm.s32 @!p0 $0x1BF5;
	p2 =	por !p2, p0  }
0x20: {  	[sflag:s8] =	ssyncset.s32 @!p0 $0xFFFFF086;
	s6 =	sadd.s32 @!p0 s3, s7;
	s7 =	simm.s32 @!p0 $0x108  }
0x21: {  	s3 =	sadd.s32 s3, s9;
	s6 =	sadd.s32 @!p0 $0x88, s6;
	s7 =	simm.s32 @p2 $0x1082  }
0x22: {  	[simem:s7], [sflag:s8] =	dma.local @!p0 [hbm:s6], $0xF7A  }
0x23: {  	s9 =	sor.u32 $0xD0000000, s2;
	s6 =	simm.s32 $0x108;
	_ =	swait.ge @!p0 [sflag:s8], $0x0  }
0x24: {  	s3 =	sadd.s32 $0x88, s3;
	s6 =	simm.s32 @!p1 $0x1082;
	[sflag:s4] =	ssyncset.s32 $0xFFFFF086  }
0x25: {  	[simem:s6], [sflag:s4] =	dma.local [hbm:s3], $0xF7A  }
0x26: {  	[smem:$0x3F99] =	sst s1;
	(tag) =	ssettag s2;
	_ =	strace s9  }
0x27: {  	s1 =	sld [smem:$0x3FA9]  }
0x28: {  	s2 =	sld [smem:$0x3FAA]  }
0x29: {  	s4 =	sld [smem:$0x3FAC]  }
0x2a: {  	p0 =	seq.s32 s5, $0x0;
	s5 =	sld [smem:$0x3FAD]  }
0x2b: {  	s6 =	sld [smem:$0x3FAE]  }
0x2c: {  	s7 =	sld [smem:$0x3FAF]  }
0x2d: {  	s3 =	simm.s32 $0x108;
	s8 =	sld [smem:$0x3FB0]  }
0x2e: {  	s3 =	simm.s32 @!p0 $0x1082;
	s9 =	sld [smem:$0x3FB1]  }
0x2f: {  	lr =	sadd.s32 s0, s3;
	s0 =	sld [smem:$0x3FA8]  }
0x30: {  	s3 =	sld [smem:$0x3FAB]  }
0x31: {  	[smem:$0x3FB4] =	sst s10  }
0x32: {  	s10 =	sld [smem:$0x3FB2];
	_ =	sdelay $0x3  }
0x33: {  	p0 =	seq.s32 s10, $0x1;
	s10 =	sld [smem:$0x3FB4];
	_ =	sdelay $0x3  }
0x34: {  	[smem:$0x3FB4] =	sst s10  }
0x35: {  	s10 =	sld [smem:$0x3FB3];
	_ =	sdelay $0x3  }
0x36: {  	p1 =	seq.s32 s10, $0x1;
	s10 =	sld [smem:$0x3FB4];
	_ =	sdelay $0x3  }
0x37: {  	[smem:$0x3FB4] =	sst s10  }
0x38: {  	s10 =	sld [smem:$0x3FB5]  }
0x39: {  	_ = 	snop;
	(pc) =	sbr.ind lr, $3  }
0x3a: {  	_ = 	snop  }
0x3b: {  	_ = 	snop  }
0x3c: {  	p2 =	seq.s32 s10, $0x1;
	s10 =	sld [smem:$0x3FB4]  }
0x3d: {  	_ =	shalt  }
0x3e: {  	_ =	shalt  }
0x3f: {  	_ =	shalt  }
0x40: {  	_ =	shalt  }
0x41: {  	_ =	shalt  }
0x42: {  	_ =	shalt  }
0x43: {  	_ =	shalt  }
0x44: {  	_ =	shalt  }
0x45: {  	_ =	shalt  }
0x46: {  	_ =	shalt  }
0x47: {  	_ =	shalt  }
0x48: {  	_ =	shalt  }
0x49: {  	_ =	shalt  }
0x4a: {  	_ =	shalt  }
0x4b: {  	_ =	shalt  }
0x4c: {  	_ =	shalt  }
0x4d: {  	_ =	shalt  }
0x4e: {  	_ =	shalt  }
0x4f: {  	_ =	shalt  }
0x50: {  	_ =	shalt  }
0x51: {  	_ =	shalt  }
0x52: {  	_ =	shalt  }
0x53: {  	_ =	shalt  }
0x54: {  	_ =	shalt  }
0x55: {  	_ =	shalt  }
0x56: {  	_ =	shalt  }
0x57: {  	_ =	shalt  }
0x58: {  	_ =	shalt  }
0x59: {  	_ =	shalt  }
0x5a: {  	_ =	shalt  }
0x5b: {  	_ =	shalt  }
0x5c: {  	_ =	shalt  }
0x5d: {  	_ =	shalt  }
0x5e: {  	_ =	shalt  }
0x5f: {  	_ =	shalt  }
0x60: {  	_ =	shalt  }
0x61: {  	_ =	shalt  }
0x62: {  	_ =	shalt  }
0x63: {  	_ =	shalt  }
0x64: {  	_ =	shalt  }
0x65: {  	_ =	shalt  }
0x66: {  	_ =	shalt  }
0x67: {  	_ =	shalt  }
0x68: {  	_ =	shalt  }
0x69: {  	_ =	shalt  }
0x6a: {  	_ =	shalt  }
0x6b: {  	_ =	shalt  }
0x6c: {  	_ =	shalt  }
0x6d: {  	_ =	shalt  }
0x6e: {  	_ =	shalt  }
0x6f: {  	_ =	shalt  }
0x70: {  	_ =	shalt  }
0x71: {  	_ =	shalt  }
0x72: {  	_ =	shalt  }
0x73: {  	_ =	shalt  }
0x74: {  	_ =	shalt  }
0x75: {  	_ =	shalt  }
0x76: {  	_ =	shalt  }
0x77: {  	_ =	shalt  }
0x78: {  	_ =	shalt  }
0x79: {  	_ =	shalt  }
0x7a: {  	_ =	shalt  }
0x7b: {  	_ =	shalt  }
0x7c: {  	_ =	shalt  }
0x7d: {  	_ =	shalt  }
0x7e: {  	_ =	shalt  }
0x7f: {  	_ =	shalt  }
0x80: {  	_ =	shalt  }
0x81: {  	_ =	shalt  }
0x82: {  	_ =	shalt  }
0x83: {  	_ =	shalt  }
0x84: {  	_ =	shalt  }
0x85: {  	_ =	shalt  }
0x86: {  	_ =	shalt  }
0x87: {  	_ =	shalt  }
.Lfunc_end0:
.L_simem_size_0:
called_computation_lowered:
.L_overlay_start_0:
0x88: {  	s2 =	sld [smem:$0x3FD9]  }
0x89: {  	s3 =	sld [smem:$0x3FFE];
	_ =	sdelay $0x1  }
0x8a: {  	s1 =	srdreg.scid  }
0x8b: {  	s0 =	sand.u32 $0x1, s1  }
0x8c: {  	s16 =	sshll.u32 s0, $0xA;
	s2 =	sadd.s32 s3, s2  }
0x8d: {  	s2 =	sadd.s32 s2, s16  }
0x8e: {  	[smem:$0x3FC0] =	sst s2  }
0x8f: {  	_ = 	snop  }
0x90: {  	(tm) =	ssettm $0x1  }
0x91: {  	s17 =	sld [smem:$0x3FFB];
	_ =	sdelay $0x3  }
0x92: {  	_ =	strace s17  }
0x93: {  	s2 =	sld [smem:$0x3FFC];
	_ =	sdelay $0x3  }
0x94: {  	_ =	strace s2  }
0x95: {  	s2 =	sld [smem:$0x3FFD];
	_ =	sdelay $0x3  }
0x96: {  	_ =	strace s2  }
0x97: {  	_ =	strace $0x8FFFFFFF  }
0x98: {  	s18 =	sld [smem:$0x3FDB];
	_ =	sdelay $0x1  }
0x99: {  	s19 =	simm.s32 $_scs_section_size  }
0x9a: {  	s4 =	simm.s32 $_size__tile_overlayer_lowered;
	s5 =	simm.s32 $_tile_overlayer_lowered  }
0x9b: {  	s22 =	simm.s32 $0x1BFF;
	s21 =	sshll.u32 s5, $0x1;
	s2 =	sadd.s32 s19, s18  }
0x9c: {  	s6 =	simm.s32 $0x0;
	s20 =	sshll.u32 s4, $0x1;
	s4 =	sadd.s32 s21, s2  }
0x9d: {  	[timem:s6], [sflag:s22] =	dma.local [hbm:s4], s20  }
0x9e: {  	_ =	swait.ge [sflag:s22], s20  }
0x9f: {  	s3 =	ssub.s32 $0x0, s20;
	[sflag:s22] =	ssyncset.done $0x0  }
0xa0: {  	[sflag:s22] =	ssyncadd.s32 s3;
	_ =	sdelay $0x1  }
0xa1: {  	s23 =	simm.s32 $0x1B8B  }
0xa2: {  	_ =	swait.ge [sflag:s23], $0x1  }
0xa3: {  	[sflag:s23] =	ssyncset.done $0x0  }
0xa4: {  	s25 =	simm.s32 $0x1B8E;
	s24 =	sld [smem:$0x3FFE];
	[sflag:s23] =	ssyncadd.s32 $0xFFFFFFFF  }
0xa5: {  	s26 =	simm.s32 $execute0_lowered;
	[smem:$0x3FD2] =	sst s25  }
0xa6: {  	s4 =	sshll.u32 s26, $0x1;
	_ =	strace $0x80000046;
	[dreg:$0x1] =	wrdreg $0xFFFFFFFF  }
0xa7: {  	s28 =	simm.s32 $_size_execute0_lowered;
	s2 =	sadd.s32 s2, s4;
	[dreg:$0x0] =	wrdreg $0x0  }
0xa8: {  	s4 =	sshll.u32 s28, $0x1;
	[dreg:$0x2] =	wrdreg s2  }
0xa9: {  	[dreg:$0x3] =	wrdreg s4  }
0xaa: {  	[dreg:$0x4] =	wrdreg $0xC0  }
0xab: {  	_ =	task [dreg:s6], $0x5FFFF  }
0xac: {  	[dreg:$0x1] =	wrdreg $0xFFFFFFFF  }
0xad: {  	[dreg:$0x0] =	wrdreg $0x60  }
0xae: {  	[dreg:$0x2] =	wrdreg s24  }
0xaf: {  	[dreg:$0x3] =	wrdreg $0x9  }
0xb0: {  	_ =	task.clear_ibuf [dreg:s6], $0x4FFFF;
	_ =	strace $0x90000046  }
0xb1: {  	s29 =	simm.s32 $0x9;
	_ =	strace $0x80000048  }
0xb2: {  	_ =	swait.ge [sflag:s29], $0x1  }
0xb3: {  	[sflag:s29] =	ssyncadd.s32 $0xFFFFFFFF  }
0xb4: {  	_ =	strace $0x90000048  }
0xb5: {  	_ =	sfence  }
0xb6: {  	s30 =	sld [smem:$0x0];
	_ =	sdelay $0x2  }
0xb7: {  	s31 =	sshll.u32 s1, $0xD;
	s1 =	sshrl.u32 s1, $0x2  }
0xb8: {  	s3 =	sand.u32 $0x4000, s31;
	s1 =	sadd.s32 s1, s30  }
0xb9: {  	s0 =	sor.u32 s3, s0;
	s1 =	sshll.u32 s1, $0x11  }
0xba: {  	s0 =	sor.u32 s1, s0  }
0xbb: {  	s0 =	sadd.s32 $0x8F2B, s0  }
0xbc: {  	[sflag:s0] =	ssyncadd.remote.s32 $0x1  }
0xbd: {  	_ =	sfence.sel $0xFFFF  }
0xbe: {  	[dreg:$0x0] =	wrdreg $0xFFFFFFFF;
	(pc) =	sbr.abs _section_cstart, $3  }
0xbf: {  	[dreg:$0x1] =	wrdreg $0xFFFFFFFF  }
0xc0: {  	_ =	task.clear_ibuf [dreg:s6], $0x2FFFF;
	_ =	strace $0x9FFFFFFF  }
0xc1: {  	(tm) =	ssettm $0x7FFFFFFF  }
tec
execute0_lowered:
.L_overlay_start_1:
0x0: {  	(tag) =	ssettag $0x1  }
0x1: {  	s1 =	srdreg.scid  }
0x2: {  	s0 =	stileid.u32;
	s3 =	rddreg [dreg:$0x0]  }
0x3: {  	s2 =	simm.s32 $0x0;
	s4 =	sand.u32 $0x1, s1;
	s5 =	sshll.u32 s0, $0x1  }
0x4: {  	s12 =	simm.s32 $0x1;
	s13 =	simm.s32 $0x2;
	s5 =	sor.u32 s4, s5  }
0x5: {  	s14 =	simm.s32 $0x3;
	s1 =	rddreg [dreg:$0x1];
	s6 =	smul.u32 $0x4E2, s5  }
0x6: {  	s15 =	simm.s32 $0x0;
	[smem:$0x7FF] =	sst s2;
	s5 =	smul.u32 $0x2710, s5  }
0x7: {  	s7 =	sadd.s32 $0x2800, s3;
	s9 =	sadd.s32 $0x20000, s3;
	s4 =	ssub.s32 $0x2, s4  }
0x8: {  	_ =	strace $0x80000047;
	s31 =	sshrl.u32 s4, $0x1;
	s5 =	sshrl.u32 s5, $0x3  }
0x9: {  	s10 =	ssub.s32 s4, s31;
	s8 =	sadd.s32 s6, s3;
	s11 =	sadd.s32 $0x9C40, s5  }
0xa: {  	s3 =	sadd.s32 s9, s5;
	s5 =	sadd.s32 s7, s5;
	s4 =	sadd.s32 s7, s11  }
0xb: {  	s6 =	sadd.s32 $0x13880, s3;
	s7 =	sadd.s32 $0x16200, s8;
	s8 =	sadd.s32 s9, s11  }
0xc: {  	v0 =	vimm.f32 $0.0e+00;
	v1 =	vimm.f32 $1.000000000e+00;
	s9 =	smax.u32 s10, $0x1;
	s10 =	simm.s32 $0x2710;
	s11 =	simm.s32 $0x4E20  }
.LBB2_1:
0xd: {  	[tilespmem:s10], [sflag:$0x1] =	stream.linear.gather [hbm4b:s4+s2], $0x2710, $0x38;
	[tilespmem:$0x7530] =	vst v63  }
0xe: {  	s16 =	simm.s32 $0x40;
	s17 =	simm.s32 $0x0  }
0xf: {  	[tilespmem:s11], [sflag:$0x2] =	stream.linear.gather [hbm4b:s5+s2], $0x2710, $0x38;
	[tilespmem:$0x7530] =	vst v63  }
.LBB2_2:
0x10: {  	p0 =	sne.s32 s16, $0x9C00;
	[tilespmem:s17+$0x0] =	vst v0;
	s17 =	smov.u32 s16;
	s16 =	sadd.s32 $0x40, s16  }
.Ltmp0:
0x11: {  	(pc) =	sbr.rel @p0 .LBB2_2-.Ltmp0, $2  }
0x12: {  	_ =	sdelay $0x2  }
0x13: {  	s17 =	sshra.s32 s17, $0x2  }
0x14: {  	[tilespmem:s17+$0x0] =	vst v0  }
0x15: {  	_ =	swait.ge [sflag:s12], $0x2710  }
0x16: {  	[sflag:s12] =	ssyncset.done $0x0  }
0x17: {  	s16 =	simm.s32 $0x0;
	[sflag:s12] =	ssyncadd.s32 $0xFFFFD8F0  }
0x18: {  	[hbm4b:s6+s16] =	stream.linear.scatter [tilespmem:s10], [sflag:$0x1], $0x2710, $0x38;
	[tilespmem:$0x7530] =	vst v63  }
0x19: {  	_ =	swait.ge [sflag:s13], $0x2710  }
0x1a: {  	[sflag:s13] =	ssyncset.done $0x0  }
0x1b: {  	[sflag:s13] =	ssyncadd.s32 $0xFFFFD8F0  }
0x1c: {  	[hbm4b:s3+s16] =	stream.linear.scatter [tilespmem:s11], [sflag:$0x2], $0x2710, $0x38;
	[tilespmem:$0x7530] =	vst v63  }
.LBB2_4:
0x1d: {  	s17 =	sshra.s32 s16, $0x2  }
0x1e: {  	v2 =	vld [tilespmem:s17+$0x2710];
	_ =	sdelay $0x7  }
0x1f: {  	[tilespmem:v2+s2+$0x0] =	vst.idx.add.f32.msk $0xffff, v1  }
0x20: {  	v2 =	vld [tilespmem:s17+$0x2720];
	_ =	sdelay $0x7  }
0x21: {  	[tilespmem:v2+s2+$0x0] =	vst.idx.add.f32.msk $0xffff, v1  }
0x22: {  	v2 =	vld [tilespmem:s17+$0x2730];
	_ =	sdelay $0x7  }
0x23: {  	[tilespmem:v2+s2+$0x0] =	vst.idx.add.f32.msk $0xffff, v1  }
0x24: {  	v2 =	vld [tilespmem:s17+$0x2740];
	_ =	sdelay $0x7  }
0x25: {  	[tilespmem:v2+s2+$0x0] =	vst.idx.add.f32.msk $0xffff, v1  }
0x26: {  	v2 =	vld [tilespmem:s17+$0x2750];
	_ =	sdelay $0x2  }
0x27: {  	p0 =	sne.s32 s16, $0x9B00  }
.Ltmp1:
0x28: {  	_ = 	snop;
	(pc) =	sbr.rel @p0 .LBB2_4-.Ltmp1, $2  }
0x29: {  	_ =	sdelay $0x2  }
0x2a: {  	s16 =	sadd.s32 $0x140, s16;
	[tilespmem:v2+s2+$0x0] =	vst.idx.add.f32.msk $0xffff, v1  }
0x2b: {  	s16 =	simm.s32 $0x0  }
0x2c: {  	[hbm4b:s7+s16] =	stream.linear.scatter [tilespmem:s16], [sflag:$0x3], $0x2710, $0x38;
	[tilespmem:$0x7530] =	vst v63  }
0x2d: {  	_ =	swait.ge [sflag:s14], $0x2710  }
0x2e: {  	[sflag:s14] =	ssyncset.done $0x0  }
0x2f: {  	[sflag:s14] =	ssyncadd.s32 $0xFFFFD8F0  }
0x30: {  	_ =	swait.ge [sflag:s13], $0x2710  }
0x31: {  	[sflag:s13] =	ssyncset.done $0x0  }
0x32: {  	s16 =	simm.s32 $0x0;
	[sflag:s13] =	ssyncadd.s32 $0xFFFFD8F0  }
0x33: {  	v5 =	vld [tilespmem:s16+$0x4E20]  }
0x34: {  	v4 =	vld [tilespmem:s16+$0x4E30]  }
0x35: {  	v3 =	vld [tilespmem:s16+$0x4E40]  }
0x36: {  	s17 =	simm.s32 $0x140;
	v2 =	vld [tilespmem:s16+$0x4E50]  }
.LBB2_6:
0x37: {  	p0 =	sne.s32 s17, $0x9B00;
	v6 =	vld [tilespmem:s16+$0x4E60]  }
0x38: {  	v5 =	vadd.s32 $0x2710, v5  }
.Ltmp2:
0x39: {  	s18 =	sshra.s32 s17, $0x2;
	[tilespmem:s16+$0x4E20] =	vst v5;
	v4 =	vadd.s32 $0x2710, v4;
	(pc) =	sbr.rel @p0 .LBB2_6-.Ltmp2, $4  }
0x3a: {  	v5 =	vld [tilespmem:s18+$0x4E20];
	[tilespmem:s16+$0x4E30] =	vst v4;
	v3 =	vadd.s32 $0x2710, v3  }
0x3b: {  	v4 =	vld [tilespmem:s18+$0x4E30];
	[tilespmem:s16+$0x4E40] =	vst v3;
	v2 =	vadd.s32 $0x2710, v2  }
0x3c: {  	v3 =	vld [tilespmem:s18+$0x4E40];
	[tilespmem:s16+$0x4E50] =	vst v2;
	v6 =	vadd.s32 $0x2710, v6  }
0x3d: {  	s17 =	sadd.s32 $0x140, s17;
	v2 =	vld [tilespmem:s18+$0x4E50];
	[tilespmem:s16+$0x4E60] =	vst v6;
	s16 =	smov.u32 s18  }
0x3e: {  	v6 =	vld [tilespmem:s16+$0x4E60]  }
0x3f: {  	v5 =	vadd.s32 $0x2710, v5  }
0x40: {  	[tilespmem:s16+$0x4E20] =	vst v5;
	v4 =	vadd.s32 $0x2710, v4  }
0x41: {  	[tilespmem:s16+$0x4E30] =	vst v4;
	v3 =	vadd.s32 $0x2710, v3  }
0x42: {  	[tilespmem:s16+$0x4E40] =	vst v3;
	v2 =	vadd.s32 $0x2710, v2  }
0x43: {  	[tilespmem:s16+$0x4E50] =	vst v2;
	v2 =	vadd.s32 $0x2710, v6  }
0x44: {  	s15 =	sadd.s32 $0x1, s15;
	[tilespmem:s16+$0x4E60] =	vst v2  }
0x45: {  	[hbm4b:s8+s2] =	stream.linear.scatter [tilespmem:s11], [sflag:$0x3], $0x2710, $0x38;
	[tilespmem:$0x7530] =	vst v63  }
0x46: {  	p0 =	sne.s32 s15, s9;
	_ =	swait.ge [sflag:s14], $0x2710  }
.Ltmp3:
0x47: {  	[sflag:s14] =	ssyncset.done $0x0;
	(pc) =	sbr.rel @p0 .LBB2_1-.Ltmp3, $4  }
0x48: {  	[sflag:s14] =	ssyncadd.s32 $0xFFFFD8F0  }
0x49: {  	_ =	swait.ge [sflag:s12], $0x2710  }
0x4a: {  	[sflag:s12] =	ssyncset.done $0x0  }
0x4b: {  	[sflag:s12] =	ssyncadd.s32 $0xFFFFD8F0  }
0x4c: {  	_ =	sfence.sel $0x180000  }
0x4d: {  	[bflag:$0x0] =	sbarrier.arrive $0xFFFF  }
0x4e: {  	p0 =	sne.s32 s0, $0x0;
	_ =	strace $0x90000047  }
0x4f: {  	s0 =	sadd.s32 @!p0 $0x100000, s1;
	[bflag:$0x2] =	sbarrier.arrive $0xFFFF  }
0x50: {  	[sflag:s0] =	ssyncadd.tile.s32 @!p0 $0x1;
	_ =	shalt  }
.Lfunc_end2:
_tile_overlayer_lowered:
.L_overlay_start_2:
0x51: {  	(tag) =	ssettag $0x2  }
0x52: {  	s0 =	rddreg [dreg:$0x0];
	s2 =	stileid.u32  }
0x53: {  	s1 =	rddreg [dreg:$0x1];
	p0 =	sne.s32 s2, $0x0  }
0x54: {  	s3 =	rddreg [dreg:$0x2];
	[bflag:$0x3] =	sbarrier.arrive $0xFFFF;
	s2 =	simm.s32 @!p0 $0x1C03  }
0x55: {  	[timem:s3], [sflag:s2] =	dma.local @!p0 [hbm:s0], s1  }
0x56: {  	s0 =	simm.s32 @!p0 $0x3  }
0x57: {  	_ =	swait.ge @!p0 [sflag:s0], s1  }
0x58: {  	s1 =	ssub.s32 @!p0 $0x0, s1;
	[sflag:s0] =	ssyncset.done @!p0 $0x0  }
0x59: {  	[sflag:s0] =	ssyncadd.s32 @!p0 s1  }
0x5a: {  	[bflag:$0x3] =	sbarrier.arrive $0xFFFF  }
0x5b: {  	_ =	shalt  }

</sc_bundles>
